<compile_context>
chip_gen: v7x
topology: tpu7x:2x2x1
jax: 0.10.2.dev20260603
libtpu: 0.0.44.dev20260713+nightly
codegen_flags: <defaults>
</compile_context>

<pallas_src>
import jax
import jax.numpy as jnp
from jax import lax
from jax.experimental import pallas as pl
from jax.experimental.pallas import tpu as pltpu
from jax.experimental.pallas import tpu_sc as plsc

N = 4096
L = 16
NSUB = 32
CHUNK = N // NSUB
QV = 4
NBLK = N // (QV * L)
NEG_BIG = -1e30


def _sc_body(p_hbm, lab_hbm, sums_hbm, meta_hbm,
             pv, labv, qbuf, rsm, obuf, mbuf):
    c = lax.axis_index("c")
    s = lax.axis_index("s")
    wid = c * 16 + s
    base = wid * CHUNK

    pltpu.sync_copy(p_hbm, pv.at[pl.ds(0, N)])
    pltpu.sync_copy(lab_hbm, labv.at[pl.ds(0, N)])

    neg = jnp.full((L,), NEG_BIG, dtype=jnp.float32)

    def build(jv, carry):
        v = pv[pl.ds(jv * L, L)]
        m = labv[pl.ds(jv * L, L)] == 0
        qbuf[pl.ds(jv * L, L)] = jnp.where(m, v, neg)
        return carry

    lax.fori_loop(0, N // L, build, jnp.int32(0), unroll=4)

    def rowc(g, cnt):
        lv = labv[pl.ds(base + g * L, L)]
        pvv = pv[pl.ds(base + g * L, L)]
        for k in range(L):
            li = lv[k]
            pi = pvv[k]

            @pl.when(li == 1)
            def _(cnt=cnt, pi=pi):
                rsm[cnt] = pi

            cnt = cnt + jnp.where(li == 1, jnp.int32(1), jnp.int32(0))
        return cnt

    n1w = lax.fori_loop(0, CHUNK // L, rowc, jnp.int32(0))

    rsm[n1w] = jnp.float32(-NEG_BIG)
    rsm[n1w + 1] = jnp.float32(-NEG_BIG)
    n_pair = (n1w + 1) // 2

    zero = jnp.zeros((L,), dtype=jnp.float32)

    def qblock(b, gaccs):
        q0 = qbuf[pl.ds(b * (QV * L), L)]
        q1 = qbuf[pl.ds(b * (QV * L) + L, L)]
        q2 = qbuf[pl.ds(b * (QV * L) + 2 * L, L)]
        q3 = qbuf[pl.ds(b * (QV * L) + 3 * L, L)]

        def rows(i, accs):
            b0, b1, b2, b3 = accs
            pi = rsm[2 * i]
            pj = rsm[2 * i + 1]
            b0 = b0 + jnp.maximum(q0 - pi, 0.0)
            b1 = b1 + jnp.maximum(q1 - pi, 0.0)
            b2 = b2 + jnp.maximum(q2 - pi, 0.0)
            b3 = b3 + jnp.maximum(q3 - pi, 0.0)
            b0 = b0 + jnp.maximum(q0 - pj, 0.0)
            b1 = b1 + jnp.maximum(q1 - pj, 0.0)
            b2 = b2 + jnp.maximum(q2 - pj, 0.0)
            b3 = b3 + jnp.maximum(q3 - pj, 0.0)
            return (b0, b1, b2, b3)

        return lax.fori_loop(0, n_pair, rows, gaccs)

    a0, a1, a2, a3 = lax.fori_loop(
        0, NBLK, qblock, (zero, zero, zero, zero))

    obuf[...] = (a0 + a1) + (a2 + a3)
    pltpu.sync_copy(obuf, sums_hbm.at[wid])

    lane = lax.broadcasted_iota(jnp.int32, (L,), 0)
    n0w = jnp.int32(CHUNK) - n1w
    meta = jnp.where(lane == 0, n1w.astype(jnp.float32),
                     jnp.where(lane == 1, n0w.astype(jnp.float32), 0.0))
    mbuf[...] = meta
    pltpu.sync_copy(mbuf, meta_hbm.at[wid])


_mesh = plsc.VectorSubcoreMesh(core_axis_name="c", subcore_axis_name="s")

_pairwise_sc = pl.kernel(
    _sc_body,
    out_type=(jax.ShapeDtypeStruct((NSUB, L), jnp.float32),
              jax.ShapeDtypeStruct((NSUB, L), jnp.float32)),
    mesh=_mesh,
    scratch_types=[
        pltpu.VMEM((N + L,), jnp.float32),
        pltpu.VMEM((N + L,), jnp.int32),
        pltpu.VMEM((N,), jnp.float32),
        pltpu.SMEM((CHUNK + 2,), jnp.float32),
        pltpu.VMEM((L,), jnp.float32),
        pltpu.VMEM((L,), jnp.float32),
    ],
)


@jax.jit
def kernel(prediction, label):
    p = prediction.reshape(-1)
    lab = label.reshape(-1)
    sums, meta = _pairwise_sc(p, lab)
    loss_sum = jnp.sum(sums)
    n1 = jnp.sum(meta[:, 0])
    n0 = jnp.sum(meta[:, 1])
    count = n1 * n0
    return jnp.where(count > 0, loss_sum / count, jnp.float32(0.0))

# --- scband reference (transcript-rebuilt; emitter-appended) ---
"""Pipeline reference for scband-pairwise-margin-ranking-loss-77309411498 (READ-ONLY COPY).

The authoritative reference and input builder live on the scoring server;
editing this copy changes nothing except your own understanding.
"""

import jax, jax.numpy as jnp
import numpy as np

MARGIN = 0.0


def setup_inputs(seed: int = 0) -> dict:
    key = jax.random.key(seed)
    k1, k2 = jax.random.split(key)
    prediction = jax.random.normal(k1, (4096, 1), dtype=jnp.float32)
    label = jax.random.randint(k2, (4096, 1), 0, 2, dtype=jnp.int32)
    return {"prediction": prediction, "label": label}


def reference(prediction, label):
    # Faithful translation of PairwiseMarginRankingLoss.forward (fixed-shape masked form, jit-traceable).
    mask_0 = (label == 0).reshape(-1)
    mask_1 = (label == 1).reshape(-1)
    p = prediction.reshape(-1)
    m0 = mask_0.astype(p.dtype)
    m1 = mask_1.astype(p.dtype)
    pred_1_n = jnp.sum(m1)
    pred_0_n = jnp.sum(m0)
    # Pair (i, j): x1 = p_j (label 0), x2 = p_i (label 1), y = -1
    # nn.MarginRankingLoss: mean(max(0, -y*(x1-x2) + margin)) over valid pairs
    diff = p[None, :] - p[:, None]
    pair_weight = m1[:, None] * m0[None, :]
    loss_sum = jnp.sum(jnp.maximum(0.0, diff + MARGIN) * pair_weight)
    count = pred_1_n * pred_0_n
    return jnp.where(count > 0, loss_sum / count, jnp.sum(prediction) * 0.0)

if __name__ == "__main__":
    import jax
    _d = setup_inputs()
    print(jax.jit(kernel)(*tuple(_d.values())))

</pallas_src>

<mosaic_0001>
#map = affine_map<(d0, d1) -> (0)>
#map1 = affine_map<(d0, d1) -> (0, 0)>
module attributes {stable_mosaic.version = 14 : i64} {
  func.func @_sc_body(%arg0: i32, %arg1: i32, %arg2: memref<4096xf32, #tpu.memory_space<hbm>>, %arg3: memref<4096xi32, #tpu.memory_space<hbm>>, %arg4: memref<32x16xf32, #tpu.memory_space<hbm>>, %arg5: memref<32x16xf32, #tpu.memory_space<hbm>>, %arg6: memref<4112xf32, #tpu.memory_space<vmem>>, %arg7: memref<4112xi32, #tpu.memory_space<vmem>>, %arg8: memref<4096xf32, #tpu.memory_space<vmem>>, %arg9: memref<130xf32, #tpu.memory_space<smem>>, %arg10: memref<16xf32, #tpu.memory_space<vmem>>, %arg11: memref<16xf32, #tpu.memory_space<vmem>>) attributes {dimension_semantics = [#tpu.dimension_semantics<core_parallel>, #tpu.dimension_semantics<subcore_parallel>], iteration_bounds = array<i64: 2, 16>, scalar_prefetch = 0 : i64, scratch_operands = 6 : i64, tpu.core_type = #tpu.core_type<sc_vector_subcore>, window_params = [{transform_indices = #map}, {transform_indices = #map}, {transform_indices = #map1}, {transform_indices = #map1}]} {
    %mul3A = arith.constant 16 : i32
    %mul3A_0 = arith.muli %arg0, %mul3A : i32
    %add3A = arith.addi %mul3A_0, %arg1 : i32
    %mul3A_1 = arith.constant 128 : i32
    %mul3A_2 = arith.muli %add3A, %mul3A_1 : i32
    "tpu.region"() ({
      %run_scoped3A = tpu.sem_alloc : memref<!tpu.dma_semaphore, #tpu.memory_space<semaphore_mem>>
      %dma_start3A = arith.constant 0 : i32
      %dma_start3A_74 = tpu.memref_slice %arg6[%dma_start3A] : memref<4112xf32, #tpu.memory_space<vmem>> -> memref<4096xf32, #tpu.memory_space<vmem>>
      %dma_start3A_75 = arith.constant 0 : i32
      %dma_start3A_76 = tpu.memref_slice %arg6[%dma_start3A_75] : memref<4112xf32, #tpu.memory_space<vmem>> -> memref<4096xf32, #tpu.memory_space<vmem>>
      tpu.enqueue_dma source(%arg2 : memref<4096xf32, #tpu.memory_space<hbm>>) target(%dma_start3A_76 : memref<4096xf32, #tpu.memory_space<vmem>>) target_semaphore(%run_scoped3A : memref<!tpu.dma_semaphore, #tpu.memory_space<semaphore_mem>>)
      %dma_wait3A = arith.constant 0 : i32
      %dma_wait3A_77 = tpu.memref_slice %arg6[%dma_wait3A] : memref<4112xf32, #tpu.memory_space<vmem>> -> memref<4096xf32, #tpu.memory_space<vmem>>
      %dma_wait3A_78 = arith.constant 0 : i32
      %dma_wait3A_79 = tpu.memref_slice %arg6[%dma_wait3A_78] : memref<4112xf32, #tpu.memory_space<vmem>> -> memref<4096xf32, #tpu.memory_space<vmem>>
      tpu.wait_dma2 semaphore(%run_scoped3A : memref<!tpu.dma_semaphore, #tpu.memory_space<semaphore_mem>>) src(%arg2 : memref<4096xf32, #tpu.memory_space<hbm>>) dst(%dma_wait3A_79 : memref<4096xf32, #tpu.memory_space<vmem>>)
      tpu.yield
    }) : () -> ()
    "tpu.region"() ({
      %run_scoped3A = tpu.sem_alloc : memref<!tpu.dma_semaphore, #tpu.memory_space<semaphore_mem>>
      %dma_start3A = arith.constant 0 : i32
      %dma_start3A_74 = tpu.memref_slice %arg7[%dma_start3A] : memref<4112xi32, #tpu.memory_space<vmem>> -> memref<4096xi32, #tpu.memory_space<vmem>>
      %dma_start3A_75 = arith.constant 0 : i32
      %dma_start3A_76 = tpu.memref_slice %arg7[%dma_start3A_75] : memref<4112xi32, #tpu.memory_space<vmem>> -> memref<4096xi32, #tpu.memory_space<vmem>>
      tpu.enqueue_dma source(%arg3 : memref<4096xi32, #tpu.memory_space<hbm>>) target(%dma_start3A_76 : memref<4096xi32, #tpu.memory_space<vmem>>) target_semaphore(%run_scoped3A : memref<!tpu.dma_semaphore, #tpu.memory_space<semaphore_mem>>)
      %dma_wait3A = arith.constant 0 : i32
      %dma_wait3A_77 = tpu.memref_slice %arg7[%dma_wait3A] : memref<4112xi32, #tpu.memory_space<vmem>> -> memref<4096xi32, #tpu.memory_space<vmem>>
      %dma_wait3A_78 = arith.constant 0 : i32
      %dma_wait3A_79 = tpu.memref_slice %arg7[%dma_wait3A_78] : memref<4112xi32, #tpu.memory_space<vmem>> -> memref<4096xi32, #tpu.memory_space<vmem>>
      tpu.wait_dma2 semaphore(%run_scoped3A : memref<!tpu.dma_semaphore, #tpu.memory_space<semaphore_mem>>) src(%arg3 : memref<4096xi32, #tpu.memory_space<hbm>>) dst(%dma_wait3A_79 : memref<4096xi32, #tpu.memory_space<vmem>>)
      tpu.yield
    }) : () -> ()
    %broadcast_in_dim3A = arith.constant -1.000000e+30 : f32
    %broadcast_in_dim3A_3 = vector.broadcast %broadcast_in_dim3A : f32 to vector<16xf32>
    %scan3A = arith.constant 0 : i32
    %scan3A_4 = arith.constant 0 : i32
    %scan3A_5 = arith.constant 256 : i32
    %scan3A_6 = arith.addi %scan3A_4, %scan3A_5 : i32
    %scan3A_7 = arith.constant 4 : i32
    scf.for %scan3A_74 = %scan3A_4 to %scan3A_6 step %scan3A_7  : i32 {
      %mul3A_75 = arith.constant 16 : i32
      %mul3A_76 = arith.muli %scan3A_74, %mul3A_75 : i32
      %get3A = arith.index_cast %mul3A_76 : i32 to index
      %get3A_77 = tpu.vector_load %arg6[%get3A] {strides = array<i32>} : memref<4112xf32, #tpu.memory_space<vmem>>, vector<16xf32>,
      %get3A_78 = vector.shape_cast %get3A_77 : vector<16xf32> to vector<16xf32>
      %mul3A_79 = arith.constant 16 : i32
      %mul3A_80 = arith.muli %scan3A_74, %mul3A_79 : i32
      %get3A_81 = arith.index_cast %mul3A_80 : i32 to index
      %get3A_82 = tpu.vector_load %arg7[%get3A_81] {strides = array<i32>} : memref<4112xi32, #tpu.memory_space<vmem>>, vector<16xi32>,
      %get3A_83 = vector.shape_cast %get3A_82 : vector<16xi32> to vector<16xi32>
      %eq3A_84 = arith.constant 0 : i32
      %eq3A_85 = vector.broadcast %eq3A_84 : i32 to vector<16xi32>
      %eq3A_86 = arith.cmpi eq, %get3A_83, %eq3A_85 : vector<16xi32>
      %select_n3A_87 = arith.select %eq3A_86, %get3A_78, %broadcast_in_dim3A_3 : vector<16xi1>, vector<16xf32>
      %mul3A_88 = arith.constant 16 : i32
      %mul3A_89 = arith.muli %scan3A_74, %mul3A_88 : i32
      %swap3A_90 = arith.index_cast %mul3A_89 : i32 to index
      %swap3A_91 = tpu.vector_load %arg8[%swap3A_90] {strides = array<i32>} : memref<4096xf32, #tpu.memory_space<vmem>>, vector<16xf32>,
      %swap3A_92 = vector.shape_cast %swap3A_91 : vector<16xf32> to vector<16xf32>
      %swap3A_93 = vector.shape_cast %select_n3A_87 : vector<16xf32> to vector<16xf32>
      tpu.vector_store %arg8[%swap3A_90], %swap3A_93 {strides = array<i32>} : memref<4096xf32, #tpu.memory_space<vmem>>, vector<16xf32>,
      %scan3A_94 = arith.constant 1 : i32
      %scan3A_95 = arith.addi %scan3A_74, %scan3A_94 : i32
      %mul3A_96 = arith.constant 16 : i32
      %mul3A_97 = arith.muli %scan3A_95, %mul3A_96 : i32
      %get3A_98 = arith.index_cast %mul3A_97 : i32 to index
      %get3A_99 = tpu.vector_load %arg6[%get3A_98] {strides = array<i32>} : memref<4112xf32, #tpu.memory_space<vmem>>, vector<16xf32>,
      %get3A_100 = vector.shape_cast %get3A_99 : vector<16xf32> to vector<16xf32>
      %mul3A_101 = arith.constant 16 : i32
      %mul3A_102 = arith.muli %scan3A_95, %mul3A_101 : i32
      %get3A_103 = arith.index_cast %mul3A_102 : i32 to index
      %get3A_104 = tpu.vector_load %arg7[%get3A_103] {strides = array<i32>} : memref<4112xi32, #tpu.memory_space<vmem>>, vector<16xi32>,
      %get3A_105 = vector.shape_cast %get3A_104 : vector<16xi32> to vector<16xi32>
      %eq3A_106 = arith.constant 0 : i32
      %eq3A_107 = vector.broadcast %eq3A_106 : i32 to vector<16xi32>
      %eq3A_108 = arith.cmpi eq, %get3A_105, %eq3A_107 : vector<16xi32>
      %select_n3A_109 = arith.select %eq3A_108, %get3A_100, %broadcast_in_dim3A_3 : vector<16xi1>, vector<16xf32>
      %mul3A_110 = arith.constant 16 : i32
      %mul3A_111 = arith.muli %scan3A_95, %mul3A_110 : i32
      %swap3A_112 = arith.index_cast %mul3A_111 : i32 to index
      %swap3A_113 = tpu.vector_load %arg8[%swap3A_112] {strides = array<i32>} : memref<4096xf32, #tpu.memory_space<vmem>>, vector<16xf32>,
      %swap3A_114 = vector.shape_cast %swap3A_113 : vector<16xf32> to vector<16xf32>
      %swap3A_115 = vector.shape_cast %select_n3A_109 : vector<16xf32> to vector<16xf32>
      tpu.vector_store %arg8[%swap3A_112], %swap3A_115 {strides = array<i32>} : memref<4096xf32, #tpu.memory_space<vmem>>, vector<16xf32>,
      %scan3A_116 = arith.constant 2 : i32
      %scan3A_117 = arith.addi %scan3A_74, %scan3A_116 : i32
      %mul3A_118 = arith.constant 16 : i32
      %mul3A_119 = arith.muli %scan3A_117, %mul3A_118 : i32
      %get3A_120 = arith.index_cast %mul3A_119 : i32 to index
      %get3A_121 = tpu.vector_load %arg6[%get3A_120] {strides = array<i32>} : memref<4112xf32, #tpu.memory_space<vmem>>, vector<16xf32>,
      %get3A_122 = vector.shape_cast %get3A_121 : vector<16xf32> to vector<16xf32>
      %mul3A_123 = arith.constant 16 : i32
      %mul3A_124 = arith.muli %scan3A_117, %mul3A_123 : i32
      %get3A_125 = arith.index_cast %mul3A_124 : i32 to index
      %get3A_126 = tpu.vector_load %arg7[%get3A_125] {strides = array<i32>} : memref<4112xi32, #tpu.memory_space<vmem>>, vector<16xi32>,
      %get3A_127 = vector.shape_cast %get3A_126 : vector<16xi32> to vector<16xi32>
      %eq3A_128 = arith.constant 0 : i32
      %eq3A_129 = vector.broadcast %eq3A_128 : i32 to vector<16xi32>
      %eq3A_130 = arith.cmpi eq, %get3A_127, %eq3A_129 : vector<16xi32>
      %select_n3A_131 = arith.select %eq3A_130, %get3A_122, %broadcast_in_dim3A_3 : vector<16xi1>, vector<16xf32>
      %mul3A_132 = arith.constant 16 : i32
      %mul3A_133 = arith.muli %scan3A_117, %mul3A_132 : i32
      %swap3A_134 = arith.index_cast %mul3A_133 : i32 to index
      %swap3A_135 = tpu.vector_load %arg8[%swap3A_134] {strides = array<i32>} : memref<4096xf32, #tpu.memory_space<vmem>>, vector<16xf32>,
      %swap3A_136 = vector.shape_cast %swap3A_135 : vector<16xf32> to vector<16xf32>
      %swap3A_137 = vector.shape_cast %select_n3A_131 : vector<16xf32> to vector<16xf32>
      tpu.vector_store %arg8[%swap3A_134], %swap3A_137 {strides = array<i32>} : memref<4096xf32, #tpu.memory_space<vmem>>, vector<16xf32>,
      %scan3A_138 = arith.constant 3 : i32
      %scan3A_139 = arith.addi %scan3A_74, %scan3A_138 : i32
      %mul3A_140 = arith.constant 16 : i32
      %mul3A_141 = arith.muli %scan3A_139, %mul3A_140 : i32
      %get3A_142 = arith.index_cast %mul3A_141 : i32 to index
      %get3A_143 = tpu.vector_load %arg6[%get3A_142] {strides = array<i32>} : memref<4112xf32, #tpu.memory_space<vmem>>, vector<16xf32>,
      %get3A_144 = vector.shape_cast %get3A_143 : vector<16xf32> to vector<16xf32>
      %mul3A_145 = arith.constant 16 : i32
      %mul3A_146 = arith.muli %scan3A_139, %mul3A_145 : i32
      %get3A_147 = arith.index_cast %mul3A_146 : i32 to index
      %get3A_148 = tpu.vector_load %arg7[%get3A_147] {strides = array<i32>} : memref<4112xi32, #tpu.memory_space<vmem>>, vector<16xi32>,
      %get3A_149 = vector.shape_cast %get3A_148 : vector<16xi32> to vector<16xi32>
      %eq3A_150 = arith.constant 0 : i32
      %eq3A_151 = vector.broadcast %eq3A_150 : i32 to vector<16xi32>
      %eq3A_152 = arith.cmpi eq, %get3A_149, %eq3A_151 : vector<16xi32>
      %select_n3A_153 = arith.select %eq3A_152, %get3A_144, %broadcast_in_dim3A_3 : vector<16xi1>, vector<16xf32>
      %mul3A_154 = arith.constant 16 : i32
      %mul3A_155 = arith.muli %scan3A_139, %mul3A_154 : i32
      %swap3A_156 = arith.index_cast %mul3A_155 : i32 to index
      %swap3A_157 = tpu.vector_load %arg8[%swap3A_156] {strides = array<i32>} : memref<4096xf32, #tpu.memory_space<vmem>>, vector<16xf32>,
      %swap3A_158 = vector.shape_cast %swap3A_157 : vector<16xf32> to vector<16xf32>
      %swap3A_159 = vector.shape_cast %select_n3A_153 : vector<16xf32> to vector<16xf32>
      tpu.vector_store %arg8[%swap3A_156], %swap3A_159 {strides = array<i32>} : memref<4096xf32, #tpu.memory_space<vmem>>, vector<16xf32>,
    }
    %scan3A_8 = arith.constant 256 : i32
    %scan3A_9 = arith.constant 0 : i32
    %scan3A_10 = arith.constant 0 : i32
    %scan3A_11 = arith.constant 8 : i32
    %scan3A_12 = arith.addi %scan3A_10, %scan3A_11 : i32
    %scan3A_13 = arith.constant 1 : i32
    %scan3A_14 = scf.for %scan3A_74 = %scan3A_10 to %scan3A_12 step %scan3A_13 iter_args(%scan3A_75 = %scan3A_9) -> (i32)  : i32 {
      %mul3A_76 = arith.constant 16 : i32
      %mul3A_77 = arith.muli %scan3A_74, %mul3A_76 : i32
      %add3A_78 = arith.addi %mul3A_2, %mul3A_77 : i32
      %get3A = arith.index_cast %add3A_78 : i32 to index
      %get3A_79 = tpu.vector_load %arg7[%get3A] {strides = array<i32>} : memref<4112xi32, #tpu.memory_space<vmem>>, vector<16xi32>,
      %get3A_80 = vector.shape_cast %get3A_79 : vector<16xi32> to vector<16xi32>
      %mul3A_81 = arith.constant 16 : i32
      %mul3A_82 = arith.muli %scan3A_74, %mul3A_81 : i32
      %add3A_83 = arith.addi %mul3A_2, %mul3A_82 : i32
      %get3A_84 = arith.index_cast %add3A_83 : i32 to index
      %get3A_85 = tpu.vector_load %arg6[%get3A_84] {strides = array<i32>} : memref<4112xf32, #tpu.memory_space<vmem>>, vector<16xf32>,
      %get3A_86 = vector.shape_cast %get3A_85 : vector<16xf32> to vector<16xf32>
      %slice3A = vector.extract_strided_slice %get3A_80 {offsets = [0], sizes = [1], strides = [1]} : vector<16xi32> to vector<1xi32>
      %squeeze3A = vector.extract %slice3A[0] : i32 from vector<1xi32>
      %slice3A_87 = vector.extract_strided_slice %get3A_86 {offsets = [0], sizes = [1], strides = [1]} : vector<16xf32> to vector<1xf32>
      %squeeze3A_88 = vector.extract %slice3A_87[0] : f32 from vector<1xf32>
      %eq3A_89 = arith.constant 1 : i32
      %eq3A_90 = arith.cmpi eq, %squeeze3A, %eq3A_89 : i32
      %convert_element_type3A_91 = arith.extui %eq3A_90 : i1 to i32
      %cond3A = arith.constant 0 : i32
      %cond3A_92 = arith.cmpi ne, %convert_element_type3A_91, %cond3A : i32
      scf.if %cond3A_92 {
        %swap3A_324 = arith.index_cast %scan3A_75 : i32 to index
        %swap3A_325 = memref.load %arg9[%swap3A_324] : memref<130xf32, #tpu.memory_space<smem>>
        memref.store %squeeze3A_88, %arg9[%swap3A_324] : memref<130xf32, #tpu.memory_space<smem>>
      } else {
      }
      %eq3A_93 = arith.constant 1 : i32
      %eq3A_94 = arith.cmpi eq, %squeeze3A, %eq3A_93 : i32
      %jit3A_95 = arith.constant 1 : i32
      %jit3A_96 = arith.constant 0 : i32
      %select_n3A_97 = arith.select %eq3A_94, %jit3A_95, %jit3A_96 : i32
      %add3A_98 = arith.addi %scan3A_75, %select_n3A_97 : i32
      %slice3A_99 = vector.extract_strided_slice %get3A_80 {offsets = [1], sizes = [1], strides = [1]} : vector<16xi32> to vector<1xi32>
      %squeeze3A_100 = vector.extract %slice3A_99[0] : i32 from vector<1xi32>
      %slice3A_101 = vector.extract_strided_slice %get3A_86 {offsets = [1], sizes = [1], strides = [1]} : vector<16xf32> to vector<1xf32>
      %squeeze3A_102 = vector.extract %slice3A_101[0] : f32 from vector<1xf32>
      %eq3A_103 = arith.constant 1 : i32
      %eq3A_104 = arith.cmpi eq, %squeeze3A_100, %eq3A_103 : i32
      %convert_element_type3A_105 = arith.extui %eq3A_104 : i1 to i32
      %cond3A_106 = arith.constant 0 : i32
      %cond3A_107 = arith.cmpi ne, %convert_element_type3A_105, %cond3A_106 : i32
      scf.if %cond3A_107 {
        %swap3A_324 = arith.index_cast %add3A_98 : i32 to index
        %swap3A_325 = memref.load %arg9[%swap3A_324] : memref<130xf32, #tpu.memory_space<smem>>
        memref.store %squeeze3A_102, %arg9[%swap3A_324] : memref<130xf32, #tpu.memory_space<smem>>
      } else {
      }
      %eq3A_108 = arith.constant 1 : i32
      %eq3A_109 = arith.cmpi eq, %squeeze3A_100, %eq3A_108 : i32
      %jit3A_110 = arith.constant 1 : i32
      %jit3A_111 = arith.constant 0 : i32
      %select_n3A_112 = arith.select %eq3A_109, %jit3A_110, %jit3A_111 : i32
      %add3A_113 = arith.addi %add3A_98, %select_n3A_112 : i32
      %slice3A_114 = vector.extract_strided_slice %get3A_80 {offsets = [2], sizes = [1], strides = [1]} : vector<16xi32> to vector<1xi32>
      %squeeze3A_115 = vector.extract %slice3A_114[0] : i32 from vector<1xi32>
      %slice3A_116 = vector.extract_strided_slice %get3A_86 {offsets = [2], sizes = [1], strides = [1]} : vector<16xf32> to vector<1xf32>
      %squeeze3A_117 = vector.extract %slice3A_116[0] : f32 from vector<1xf32>
      %eq3A_118 = arith.constant 1 : i32
      %eq3A_119 = arith.cmpi eq, %squeeze3A_115, %eq3A_118 : i32
      %convert_element_type3A_120 = arith.extui %eq3A_119 : i1 to i32
      %cond3A_121 = arith.constant 0 : i32
      %cond3A_122 = arith.cmpi ne, %convert_element_type3A_120, %cond3A_121 : i32
      scf.if %cond3A_122 {
        %swap3A_324 = arith.index_cast %add3A_113 : i32 to index
        %swap3A_325 = memref.load %arg9[%swap3A_324] : memref<130xf32, #tpu.memory_space<smem>>
        memref.store %squeeze3A_117, %arg9[%swap3A_324] : memref<130xf32, #tpu.memory_space<smem>>
      } else {
      }
      %eq3A_123 = arith.constant 1 : i32
      %eq3A_124 = arith.cmpi eq, %squeeze3A_115, %eq3A_123 : i32
      %jit3A_125 = arith.constant 1 : i32
      %jit3A_126 = arith.constant 0 : i32
      %select_n3A_127 = arith.select %eq3A_124, %jit3A_125, %jit3A_126 : i32
      %add3A_128 = arith.addi %add3A_113, %select_n3A_127 : i32
      %slice3A_129 = vector.extract_strided_slice %get3A_80 {offsets = [3], sizes = [1], strides = [1]} : vector<16xi32> to vector<1xi32>
      %squeeze3A_130 = vector.extract %slice3A_129[0] : i32 from vector<1xi32>
      %slice3A_131 = vector.extract_strided_slice %get3A_86 {offsets = [3], sizes = [1], strides = [1]} : vector<16xf32> to vector<1xf32>
      %squeeze3A_132 = vector.extract %slice3A_131[0] : f32 from vector<1xf32>
      %eq3A_133 = arith.constant 1 : i32
      %eq3A_134 = arith.cmpi eq, %squeeze3A_130, %eq3A_133 : i32
      %convert_element_type3A_135 = arith.extui %eq3A_134 : i1 to i32
      %cond3A_136 = arith.constant 0 : i32
      %cond3A_137 = arith.cmpi ne, %convert_element_type3A_135, %cond3A_136 : i32
      scf.if %cond3A_137 {
        %swap3A_324 = arith.index_cast %add3A_128 : i32 to index
        %swap3A_325 = memref.load %arg9[%swap3A_324] : memref<130xf32, #tpu.memory_space<smem>>
        memref.store %squeeze3A_132, %arg9[%swap3A_324] : memref<130xf32, #tpu.memory_space<smem>>
      } else {
      }
      %eq3A_138 = arith.constant 1 : i32
      %eq3A_139 = arith.cmpi eq, %squeeze3A_130, %eq3A_138 : i32
      %jit3A_140 = arith.constant 1 : i32
      %jit3A_141 = arith.constant 0 : i32
      %select_n3A_142 = arith.select %eq3A_139, %jit3A_140, %jit3A_141 : i32
      %add3A_143 = arith.addi %add3A_128, %select_n3A_142 : i32
      %slice3A_144 = vector.extract_strided_slice %get3A_80 {offsets = [4], sizes = [1], strides = [1]} : vector<16xi32> to vector<1xi32>
      %squeeze3A_145 = vector.extract %slice3A_144[0] : i32 from vector<1xi32>
      %slice3A_146 = vector.extract_strided_slice %get3A_86 {offsets = [4], sizes = [1], strides = [1]} : vector<16xf32> to vector<1xf32>
      %squeeze3A_147 = vector.extract %slice3A_146[0] : f32 from vector<1xf32>
      %eq3A_148 = arith.constant 1 : i32
      %eq3A_149 = arith.cmpi eq, %squeeze3A_145, %eq3A_148 : i32
      %convert_element_type3A_150 = arith.extui %eq3A_149 : i1 to i32
      %cond3A_151 = arith.constant 0 : i32
      %cond3A_152 = arith.cmpi ne, %convert_element_type3A_150, %cond3A_151 : i32
      scf.if %cond3A_152 {
        %swap3A_324 = arith.index_cast %add3A_143 : i32 to index
        %swap3A_325 = memref.load %arg9[%swap3A_324] : memref<130xf32, #tpu.memory_space<smem>>
        memref.store %squeeze3A_147, %arg9[%swap3A_324] : memref<130xf32, #tpu.memory_space<smem>>
      } else {
      }
      %eq3A_153 = arith.constant 1 : i32
      %eq3A_154 = arith.cmpi eq, %squeeze3A_145, %eq3A_153 : i32
      %jit3A_155 = arith.constant 1 : i32
      %jit3A_156 = arith.constant 0 : i32
      %select_n3A_157 = arith.select %eq3A_154, %jit3A_155, %jit3A_156 : i32
      %add3A_158 = arith.addi %add3A_143, %select_n3A_157 : i32
      %slice3A_159 = vector.extract_strided_slice %get3A_80 {offsets = [5], sizes = [1], strides = [1]} : vector<16xi32> to vector<1xi32>
      %squeeze3A_160 = vector.extract %slice3A_159[0] : i32 from vector<1xi32>
      %slice3A_161 = vector.extract_strided_slice %get3A_86 {offsets = [5], sizes = [1], strides = [1]} : vector<16xf32> to vector<1xf32>
      %squeeze3A_162 = vector.extract %slice3A_161[0] : f32 from vector<1xf32>
      %eq3A_163 = arith.constant 1 : i32
      %eq3A_164 = arith.cmpi eq, %squeeze3A_160, %eq3A_163 : i32
      %convert_element_type3A_165 = arith.extui %eq3A_164 : i1 to i32
      %cond3A_166 = arith.constant 0 : i32
      %cond3A_167 = arith.cmpi ne, %convert_element_type3A_165, %cond3A_166 : i32
      scf.if %cond3A_167 {
        %swap3A_324 = arith.index_cast %add3A_158 : i32 to index
        %swap3A_325 = memref.load %arg9[%swap3A_324] : memref<130xf32, #tpu.memory_space<smem>>
        memref.store %squeeze3A_162, %arg9[%swap3A_324] : memref<130xf32, #tpu.memory_space<smem>>
      } else {
      }
      %eq3A_168 = arith.constant 1 : i32
      %eq3A_169 = arith.cmpi eq, %squeeze3A_160, %eq3A_168 : i32
      %jit3A_170 = arith.constant 1 : i32
      %jit3A_171 = arith.constant 0 : i32
      %select_n3A_172 = arith.select %eq3A_169, %jit3A_170, %jit3A_171 : i32
      %add3A_173 = arith.addi %add3A_158, %select_n3A_172 : i32
      %slice3A_174 = vector.extract_strided_slice %get3A_80 {offsets = [6], sizes = [1], strides = [1]} : vector<16xi32> to vector<1xi32>
      %squeeze3A_175 = vector.extract %slice3A_174[0] : i32 from vector<1xi32>
      %slice3A_176 = vector.extract_strided_slice %get3A_86 {offsets = [6], sizes = [1], strides = [1]} : vector<16xf32> to vector<1xf32>
      %squeeze3A_177 = vector.extract %slice3A_176[0] : f32 from vector<1xf32>
      %eq3A_178 = arith.constant 1 : i32
      %eq3A_179 = arith.cmpi eq, %squeeze3A_175, %eq3A_178 : i32
      %convert_element_type3A_180 = arith.extui %eq3A_179 : i1 to i32
      %cond3A_181 = arith.constant 0 : i32
      %cond3A_182 = arith.cmpi ne, %convert_element_type3A_180, %cond3A_181 : i32
      scf.if %cond3A_182 {
        %swap3A_324 = arith.index_cast %add3A_173 : i32 to index
        %swap3A_325 = memref.load %arg9[%swap3A_324] : memref<130xf32, #tpu.memory_space<smem>>
        memref.store %squeeze3A_177, %arg9[%swap3A_324] : memref<130xf32, #tpu.memory_space<smem>>
      } else {
      }
      %eq3A_183 = arith.constant 1 : i32
      %eq3A_184 = arith.cmpi eq, %squeeze3A_175, %eq3A_183 : i32
      %jit3A_185 = arith.constant 1 : i32
      %jit3A_186 = arith.constant 0 : i32
      %select_n3A_187 = arith.select %eq3A_184, %jit3A_185, %jit3A_186 : i32
      %add3A_188 = arith.addi %add3A_173, %select_n3A_187 : i32
      %slice3A_189 = vector.extract_strided_slice %get3A_80 {offsets = [7], sizes = [1], strides = [1]} : vector<16xi32> to vector<1xi32>
      %squeeze3A_190 = vector.extract %slice3A_189[0] : i32 from vector<1xi32>
      %slice3A_191 = vector.extract_strided_slice %get3A_86 {offsets = [7], sizes = [1], strides = [1]} : vector<16xf32> to vector<1xf32>
      %squeeze3A_192 = vector.extract %slice3A_191[0] : f32 from vector<1xf32>
      %eq3A_193 = arith.constant 1 : i32
      %eq3A_194 = arith.cmpi eq, %squeeze3A_190, %eq3A_193 : i32
      %convert_element_type3A_195 = arith.extui %eq3A_194 : i1 to i32
      %cond3A_196 = arith.constant 0 : i32
      %cond3A_197 = arith.cmpi ne, %convert_element_type3A_195, %cond3A_196 : i32
      scf.if %cond3A_197 {
        %swap3A_324 = arith.index_cast %add3A_188 : i32 to index
        %swap3A_325 = memref.load %arg9[%swap3A_324] : memref<130xf32, #tpu.memory_space<smem>>
        memref.store %squeeze3A_192, %arg9[%swap3A_324] : memref<130xf32, #tpu.memory_space<smem>>
      } else {
      }
      %eq3A_198 = arith.constant 1 : i32
      %eq3A_199 = arith.cmpi eq, %squeeze3A_190, %eq3A_198 : i32
      %jit3A_200 = arith.constant 1 : i32
      %jit3A_201 = arith.constant 0 : i32
      %select_n3A_202 = arith.select %eq3A_199, %jit3A_200, %jit3A_201 : i32
      %add3A_203 = arith.addi %add3A_188, %select_n3A_202 : i32
      %slice3A_204 = vector.extract_strided_slice %get3A_80 {offsets = [8], sizes = [1], strides = [1]} : vector<16xi32> to vector<1xi32>
      %squeeze3A_205 = vector.extract %slice3A_204[0] : i32 from vector<1xi32>
      %slice3A_206 = vector.extract_strided_slice %get3A_86 {offsets = [8], sizes = [1], strides = [1]} : vector<16xf32> to vector<1xf32>
      %squeeze3A_207 = vector.extract %slice3A_206[0] : f32 from vector<1xf32>
      %eq3A_208 = arith.constant 1 : i32
      %eq3A_209 = arith.cmpi eq, %squeeze3A_205, %eq3A_208 : i32
      %convert_element_type3A_210 = arith.extui %eq3A_209 : i1 to i32
      %cond3A_211 = arith.constant 0 : i32
      %cond3A_212 = arith.cmpi ne, %convert_element_type3A_210, %cond3A_211 : i32
      scf.if %cond3A_212 {
        %swap3A_324 = arith.index_cast %add3A_203 : i32 to index
        %swap3A_325 = memref.load %arg9[%swap3A_324] : memref<130xf32, #tpu.memory_space<smem>>
        memref.store %squeeze3A_207, %arg9[%swap3A_324] : memref<130xf32, #tpu.memory_space<smem>>
      } else {
      }
      %eq3A_213 = arith.constant 1 : i32
      %eq3A_214 = arith.cmpi eq, %squeeze3A_205, %eq3A_213 : i32
      %jit3A_215 = arith.constant 1 : i32
      %jit3A_216 = arith.constant 0 : i32
      %select_n3A_217 = arith.select %eq3A_214, %jit3A_215, %jit3A_216 : i32
      %add3A_218 = arith.addi %add3A_203, %select_n3A_217 : i32
      %slice3A_219 = vector.extract_strided_slice %get3A_80 {offsets = [9], sizes = [1], strides = [1]} : vector<16xi32> to vector<1xi32>
      %squeeze3A_220 = vector.extract %slice3A_219[0] : i32 from vector<1xi32>
      %slice3A_221 = vector.extract_strided_slice %get3A_86 {offsets = [9], sizes = [1], strides = [1]} : vector<16xf32> to vector<1xf32>
      %squeeze3A_222 = vector.extract %slice3A_221[0] : f32 from vector<1xf32>
      %eq3A_223 = arith.constant 1 : i32
      %eq3A_224 = arith.cmpi eq, %squeeze3A_220, %eq3A_223 : i32
      %convert_element_type3A_225 = arith.extui %eq3A_224 : i1 to i32
      %cond3A_226 = arith.constant 0 : i32
      %cond3A_227 = arith.cmpi ne, %convert_element_type3A_225, %cond3A_226 : i32
      scf.if %cond3A_227 {
        %swap3A_324 = arith.index_cast %add3A_218 : i32 to index
        %swap3A_325 = memref.load %arg9[%swap3A_324] : memref<130xf32, #tpu.memory_space<smem>>
        memref.store %squeeze3A_222, %arg9[%swap3A_324] : memref<130xf32, #tpu.memory_space<smem>>
      } else {
      }
      %eq3A_228 = arith.constant 1 : i32
      %eq3A_229 = arith.cmpi eq, %squeeze3A_220, %eq3A_228 : i32
      %jit3A_230 = arith.constant 1 : i32
      %jit3A_231 = arith.constant 0 : i32
      %select_n3A_232 = arith.select %eq3A_229, %jit3A_230, %jit3A_231 : i32
      %add3A_233 = arith.addi %add3A_218, %select_n3A_232 : i32
      %slice3A_234 = vector.extract_strided_slice %get3A_80 {offsets = [10], sizes = [1], strides = [1]} : vector<16xi32> to vector<1xi32>
      %squeeze3A_235 = vector.extract %slice3A_234[0] : i32 from vector<1xi32>
      %slice3A_236 = vector.extract_strided_slice %get3A_86 {offsets = [10], sizes = [1], strides = [1]} : vector<16xf32> to vector<1xf32>
      %squeeze3A_237 = vector.extract %slice3A_236[0] : f32 from vector<1xf32>
      %eq3A_238 = arith.constant 1 : i32
      %eq3A_239 = arith.cmpi eq, %squeeze3A_235, %eq3A_238 : i32
      %convert_element_type3A_240 = arith.extui %eq3A_239 : i1 to i32
      %cond3A_241 = arith.constant 0 : i32
      %cond3A_242 = arith.cmpi ne, %convert_element_type3A_240, %cond3A_241 : i32
      scf.if %cond3A_242 {
        %swap3A_324 = arith.index_cast %add3A_233 : i32 to index
        %swap3A_325 = memref.load %arg9[%swap3A_324] : memref<130xf32, #tpu.memory_space<smem>>
        memref.store %squeeze3A_237, %arg9[%swap3A_324] : memref<130xf32, #tpu.memory_space<smem>>
      } else {
      }
      %eq3A_243 = arith.constant 1 : i32
      %eq3A_244 = arith.cmpi eq, %squeeze3A_235, %eq3A_243 : i32
      %jit3A_245 = arith.constant 1 : i32
      %jit3A_246 = arith.constant 0 : i32
      %select_n3A_247 = arith.select %eq3A_244, %jit3A_245, %jit3A_246 : i32
      %add3A_248 = arith.addi %add3A_233, %select_n3A_247 : i32
      %slice3A_249 = vector.extract_strided_slice %get3A_80 {offsets = [11], sizes = [1], strides = [1]} : vector<16xi32> to vector<1xi32>
      %squeeze3A_250 = vector.extract %slice3A_249[0] : i32 from vector<1xi32>
      %slice3A_251 = vector.extract_strided_slice %get3A_86 {offsets = [11], sizes = [1], strides = [1]} : vector<16xf32> to vector<1xf32>
      %squeeze3A_252 = vector.extract %slice3A_251[0] : f32 from vector<1xf32>
      %eq3A_253 = arith.constant 1 : i32
      %eq3A_254 = arith.cmpi eq, %squeeze3A_250, %eq3A_253 : i32
      %convert_element_type3A_255 = arith.extui %eq3A_254 : i1 to i32
      %cond3A_256 = arith.constant 0 : i32
      %cond3A_257 = arith.cmpi ne, %convert_element_type3A_255, %cond3A_256 : i32
      scf.if %cond3A_257 {
        %swap3A_324 = arith.index_cast %add3A_248 : i32 to index
        %swap3A_325 = memref.load %arg9[%swap3A_324] : memref<130xf32, #tpu.memory_space<smem>>
        memref.store %squeeze3A_252, %arg9[%swap3A_324] : memref<130xf32, #tpu.memory_space<smem>>
      } else {
      }
      %eq3A_258 = arith.constant 1 : i32
      %eq3A_259 = arith.cmpi eq, %squeeze3A_250, %eq3A_258 : i32
      %jit3A_260 = arith.constant 1 : i32
      %jit3A_261 = arith.constant 0 : i32
      %select_n3A_262 = arith.select %eq3A_259, %jit3A_260, %jit3A_261 : i32
      %add3A_263 = arith.addi %add3A_248, %select_n3A_262 : i32
      %slice3A_264 = vector.extract_strided_slice %get3A_80 {offsets = [12], sizes = [1], strides = [1]} : vector<16xi32> to vector<1xi32>
      %squeeze3A_265 = vector.extract %slice3A_264[0] : i32 from vector<1xi32>
      %slice3A_266 = vector.extract_strided_slice %get3A_86 {offsets = [12], sizes = [1], strides = [1]} : vector<16xf32> to vector<1xf32>
      %squeeze3A_267 = vector.extract %slice3A_266[0] : f32 from vector<1xf32>
      %eq3A_268 = arith.constant 1 : i32
      %eq3A_269 = arith.cmpi eq, %squeeze3A_265, %eq3A_268 : i32
      %convert_element_type3A_270 = arith.extui %eq3A_269 : i1 to i32
      %cond3A_271 = arith.constant 0 : i32
      %cond3A_272 = arith.cmpi ne, %convert_element_type3A_270, %cond3A_271 : i32
      scf.if %cond3A_272 {
        %swap3A_324 = arith.index_cast %add3A_263 : i32 to index
        %swap3A_325 = memref.load %arg9[%swap3A_324] : memref<130xf32, #tpu.memory_space<smem>>
        memref.store %squeeze3A_267, %arg9[%swap3A_324] : memref<130xf32, #tpu.memory_space<smem>>
      } else {
      }
      %eq3A_273 = arith.constant 1 : i32
      %eq3A_274 = arith.cmpi eq, %squeeze3A_265, %eq3A_273 : i32
      %jit3A_275 = arith.constant 1 : i32
      %jit3A_276 = arith.constant 0 : i32
      %select_n3A_277 = arith.select %eq3A_274, %jit3A_275, %jit3A_276 : i32
      %add3A_278 = arith.addi %add3A_263, %select_n3A_277 : i32
      %slice3A_279 = vector.extract_strided_slice %get3A_80 {offsets = [13], sizes = [1], strides = [1]} : vector<16xi32> to vector<1xi32>
      %squeeze3A_280 = vector.extract %slice3A_279[0] : i32 from vector<1xi32>
      %slice3A_281 = vector.extract_strided_slice %get3A_86 {offsets = [13], sizes = [1], strides = [1]} : vector<16xf32> to vector<1xf32>
      %squeeze3A_282 = vector.extract %slice3A_281[0] : f32 from vector<1xf32>
      %eq3A_283 = arith.constant 1 : i32
      %eq3A_284 = arith.cmpi eq, %squeeze3A_280, %eq3A_283 : i32
      %convert_element_type3A_285 = arith.extui %eq3A_284 : i1 to i32
      %cond3A_286 = arith.constant 0 : i32
      %cond3A_287 = arith.cmpi ne, %convert_element_type3A_285, %cond3A_286 : i32
      scf.if %cond3A_287 {
        %swap3A_324 = arith.index_cast %add3A_278 : i32 to index
        %swap3A_325 = memref.load %arg9[%swap3A_324] : memref<130xf32, #tpu.memory_space<smem>>
        memref.store %squeeze3A_282, %arg9[%swap3A_324] : memref<130xf32, #tpu.memory_space<smem>>
      } else {
      }
      %eq3A_288 = arith.constant 1 : i32
      %eq3A_289 = arith.cmpi eq, %squeeze3A_280, %eq3A_288 : i32
      %jit3A_290 = arith.constant 1 : i32
      %jit3A_291 = arith.constant 0 : i32
      %select_n3A_292 = arith.select %eq3A_289, %jit3A_290, %jit3A_291 : i32
      %add3A_293 = arith.addi %add3A_278, %select_n3A_292 : i32
      %slice3A_294 = vector.extract_strided_slice %get3A_80 {offsets = [14], sizes = [1], strides = [1]} : vector<16xi32> to vector<1xi32>
      %squeeze3A_295 = vector.extract %slice3A_294[0] : i32 from vector<1xi32>
      %slice3A_296 = vector.extract_strided_slice %get3A_86 {offsets = [14], sizes = [1], strides = [1]} : vector<16xf32> to vector<1xf32>
      %squeeze3A_297 = vector.extract %slice3A_296[0] : f32 from vector<1xf32>
      %eq3A_298 = arith.constant 1 : i32
      %eq3A_299 = arith.cmpi eq, %squeeze3A_295, %eq3A_298 : i32
      %convert_element_type3A_300 = arith.extui %eq3A_299 : i1 to i32
      %cond3A_301 = arith.constant 0 : i32
      %cond3A_302 = arith.cmpi ne, %convert_element_type3A_300, %cond3A_301 : i32
      scf.if %cond3A_302 {
        %swap3A_324 = arith.index_cast %add3A_293 : i32 to index
        %swap3A_325 = memref.load %arg9[%swap3A_324] : memref<130xf32, #tpu.memory_space<smem>>
        memref.store %squeeze3A_297, %arg9[%swap3A_324] : memref<130xf32, #tpu.memory_space<smem>>
      } else {
      }
      %eq3A_303 = arith.constant 1 : i32
      %eq3A_304 = arith.cmpi eq, %squeeze3A_295, %eq3A_303 : i32
      %jit3A_305 = arith.constant 1 : i32
      %jit3A_306 = arith.constant 0 : i32
      %select_n3A_307 = arith.select %eq3A_304, %jit3A_305, %jit3A_306 : i32
      %add3A_308 = arith.addi %add3A_293, %select_n3A_307 : i32
      %slice3A_309 = vector.extract_strided_slice %get3A_80 {offsets = [15], sizes = [1], strides = [1]} : vector<16xi32> to vector<1xi32>
      %squeeze3A_310 = vector.extract %slice3A_309[0] : i32 from vector<1xi32>
      %slice3A_311 = vector.extract_strided_slice %get3A_86 {offsets = [15], sizes = [1], strides = [1]} : vector<16xf32> to vector<1xf32>
      %squeeze3A_312 = vector.extract %slice3A_311[0] : f32 from vector<1xf32>
      %eq3A_313 = arith.constant 1 : i32
      %eq3A_314 = arith.cmpi eq, %squeeze3A_310, %eq3A_313 : i32
      %convert_element_type3A_315 = arith.extui %eq3A_314 : i1 to i32
      %cond3A_316 = arith.constant 0 : i32
      %cond3A_317 = arith.cmpi ne, %convert_element_type3A_315, %cond3A_316 : i32
      scf.if %cond3A_317 {
        %swap3A_324 = arith.index_cast %add3A_308 : i32 to index
        %swap3A_325 = memref.load %arg9[%swap3A_324] : memref<130xf32, #tpu.memory_space<smem>>
        memref.store %squeeze3A_312, %arg9[%swap3A_324] : memref<130xf32, #tpu.memory_space<smem>>
      } else {
      }
      %eq3A_318 = arith.constant 1 : i32
      %eq3A_319 = arith.cmpi eq, %squeeze3A_310, %eq3A_318 : i32
      %jit3A_320 = arith.constant 1 : i32
      %jit3A_321 = arith.constant 0 : i32
      %select_n3A_322 = arith.select %eq3A_319, %jit3A_320, %jit3A_321 : i32
      %add3A_323 = arith.addi %add3A_308, %select_n3A_322 : i32
      scf.yield %add3A_323 : i32
    }
    %scan3A_15 = arith.constant 8 : i32
    %swap3A = arith.constant 1.000000e+30 : f32
    %swap3A_16 = arith.index_cast %scan3A_14 : i32 to index
    %swap3A_17 = memref.load %arg9[%swap3A_16] : memref<130xf32, #tpu.memory_space<smem>>
    memref.store %swap3A, %arg9[%swap3A_16] : memref<130xf32, #tpu.memory_space<smem>>
    %add3A_18 = arith.constant 1 : i32
    %add3A_19 = arith.addi %scan3A_14, %add3A_18 : i32
    %swap3A_20 = arith.constant 1.000000e+30 : f32
    %swap3A_21 = arith.index_cast %add3A_19 : i32 to index
    %swap3A_22 = memref.load %arg9[%swap3A_21] : memref<130xf32, #tpu.memory_space<smem>>
    memref.store %swap3A_20, %arg9[%swap3A_21] : memref<130xf32, #tpu.memory_space<smem>>
    %add3A_23 = arith.constant 1 : i32
    %add3A_24 = arith.addi %scan3A_14, %add3A_23 : i32
    %jit3A = arith.constant 2 : i32
    %div3A = arith.divsi %add3A_24, %jit3A : i32
    %sign3A = arith.constant 0 : i32
    %sign3A_25 = arith.cmpi sgt, %add3A_24, %sign3A : i32
    %sign3A_26 = arith.extui %sign3A_25 : i1 to i32
    %sign3A_27 = arith.constant 0 : i32
    %sign3A_28 = arith.cmpi slt, %add3A_24, %sign3A_27 : i32
    %sign3A_29 = arith.extui %sign3A_28 : i1 to i32
    %sign3A_30 = arith.subi %sign3A_26, %sign3A_29 : i32
    %sign3A_31 = arith.constant 0 : i32
    %sign3A_32 = arith.cmpi sgt, %jit3A, %sign3A_31 : i32
    %sign3A_33 = arith.extui %sign3A_32 : i1 to i32
    %sign3A_34 = arith.constant 0 : i32
    %sign3A_35 = arith.cmpi slt, %jit3A, %sign3A_34 : i32
    %sign3A_36 = arith.extui %sign3A_35 : i1 to i32
    %sign3A_37 = arith.subi %sign3A_33, %sign3A_36 : i32
    %ne3A = arith.cmpi ne, %sign3A_30, %sign3A_37 : i32
    %rem3A = arith.remsi %add3A_24, %jit3A : i32
    %ne3A_38 = arith.constant 0 : i32
    %ne3A_39 = arith.cmpi ne, %rem3A, %ne3A_38 : i32
    %and3A = arith.andi %ne3A, %ne3A_39 : i1
    %sub3A = arith.constant 1 : i32
    %sub3A_40 = arith.subi %div3A, %sub3A : i32
    %select_n3A = arith.select %and3A, %sub3A_40, %div3A : i32
    %broadcast_in_dim3A_41 = arith.constant 0.000000e+00 : f32
    %broadcast_in_dim3A_42 = vector.broadcast %broadcast_in_dim3A_41 : f32 to vector<16xf32>
    %scan3A_43 = arith.constant 0 : i32
    %scan3A_44 = arith.constant 64 : i32
    %scan3A_45 = arith.addi %scan3A_43, %scan3A_44 : i32
    %scan3A_46 = arith.constant 1 : i32
    %scan3A_47:4 = scf.for %scan3A_74 = %scan3A_43 to %scan3A_45 step %scan3A_46 iter_args(%scan3A_75 = %broadcast_in_dim3A_42, %scan3A_76 = %broadcast_in_dim3A_42, %scan3A_77 = %broadcast_in_dim3A_42, %scan3A_78 = %broadcast_in_dim3A_42) -> (vector<16xf32>, vector<16xf32>, vector<16xf32>, vector<16xf32>)  : i32 {
      %mul3A_79 = arith.constant 64 : i32
      %mul3A_80 = arith.muli %scan3A_74, %mul3A_79 : i32
      %get3A = arith.index_cast %mul3A_80 : i32 to index
      %get3A_81 = tpu.vector_load %arg8[%get3A] {strides = array<i32>} : memref<4096xf32, #tpu.memory_space<vmem>>, vector<16xf32>,
      %get3A_82 = vector.shape_cast %get3A_81 : vector<16xf32> to vector<16xf32>
      %mul3A_83 = arith.constant 64 : i32
      %mul3A_84 = arith.muli %scan3A_74, %mul3A_83 : i32
      %add3A_85 = arith.constant 16 : i32
      %add3A_86 = arith.addi %mul3A_84, %add3A_85 : i32
      %get3A_87 = arith.index_cast %add3A_86 : i32 to index
      %get3A_88 = tpu.vector_load %arg8[%get3A_87] {strides = array<i32>} : memref<4096xf32, #tpu.memory_space<vmem>>, vector<16xf32>,
      %get3A_89 = vector.shape_cast %get3A_88 : vector<16xf32> to vector<16xf32>
      %mul3A_90 = arith.constant 64 : i32
      %mul3A_91 = arith.muli %scan3A_74, %mul3A_90 : i32
      %add3A_92 = arith.constant 32 : i32
      %add3A_93 = arith.addi %mul3A_91, %add3A_92 : i32
      %get3A_94 = arith.index_cast %add3A_93 : i32 to index
      %get3A_95 = tpu.vector_load %arg8[%get3A_94] {strides = array<i32>} : memref<4096xf32, #tpu.memory_space<vmem>>, vector<16xf32>,
      %get3A_96 = vector.shape_cast %get3A_95 : vector<16xf32> to vector<16xf32>
      %mul3A_97 = arith.constant 64 : i32
      %mul3A_98 = arith.muli %scan3A_74, %mul3A_97 : i32
      %add3A_99 = arith.constant 48 : i32
      %add3A_100 = arith.addi %mul3A_98, %add3A_99 : i32
      %get3A_101 = arith.index_cast %add3A_100 : i32 to index
      %get3A_102 = tpu.vector_load %arg8[%get3A_101] {strides = array<i32>} : memref<4096xf32, #tpu.memory_space<vmem>>, vector<16xf32>,
      %get3A_103 = vector.shape_cast %get3A_102 : vector<16xf32> to vector<16xf32>
      %while3A = arith.constant 0 : i32
      %while3A_104 = arith.subi %select_n3A, %while3A : i32
      %while3A_105 = arith.addi %while3A, %while3A_104 : i32
      %while3A_106 = arith.constant 1 : i32
      %while3A_107 = arith.divsi %while3A_104, %while3A_106 : i32
      %while3A_108 = arith.muli %while3A_107, %while3A_106 : i32
      %while3A_109 = arith.addi %while3A, %while3A_108 : i32
      %while3A_110 = arith.constant 1 : i32
      %while3A_111:4 = scf.for %while3A_114 = %while3A to %while3A_109 step %while3A_110 iter_args(%while3A_115 = %scan3A_75, %while3A_116 = %scan3A_76, %while3A_117 = %scan3A_77, %while3A_118 = %scan3A_78) -> (vector<16xf32>, vector<16xf32>, vector<16xf32>, vector<16xf32>)  : i32 {
        %mul3A_119 = arith.constant 2 : i32
        %mul3A_120 = arith.muli %mul3A_119, %while3A_114 : i32
        %get3A_121 = arith.index_cast %mul3A_120 : i32 to index
        %get3A_122 = memref.load %arg9[%get3A_121] : memref<130xf32, #tpu.memory_space<smem>>
        %mul3A_123 = arith.constant 2 : i32
        %mul3A_124 = arith.muli %mul3A_123, %while3A_114 : i32
        %add3A_125 = arith.constant 1 : i32
        %add3A_126 = arith.addi %mul3A_124, %add3A_125 : i32
        %get3A_127 = arith.index_cast %add3A_126 : i32 to index
        %get3A_128 = memref.load %arg9[%get3A_127] : memref<130xf32, #tpu.memory_space<smem>>
        %sub3A_129 = vector.broadcast %get3A_122 : f32 to vector<16xf32>
        %sub3A_130 = arith.subf %get3A_82, %sub3A_129 : vector<16xf32>
        %max3A = arith.constant 0.000000e+00 : f32
        %max3A_131 = vector.broadcast %max3A : f32 to vector<16xf32>
        %max3A_132 = arith.maximumf %sub3A_130, %max3A_131 : vector<16xf32>
        %add3A_133 = arith.addf %while3A_115, %max3A_132 : vector<16xf32>
        %sub3A_134 = vector.broadcast %get3A_122 : f32 to vector<16xf32>
        %sub3A_135 = arith.subf %get3A_89, %sub3A_134 : vector<16xf32>
        %max3A_136 = arith.constant 0.000000e+00 : f32
        %max3A_137 = vector.broadcast %max3A_136 : f32 to vector<16xf32>
        %max3A_138 = arith.maximumf %sub3A_135, %max3A_137 : vector<16xf32>
        %add3A_139 = arith.addf %while3A_116, %max3A_138 : vector<16xf32>
        %sub3A_140 = vector.broadcast %get3A_122 : f32 to vector<16xf32>
        %sub3A_141 = arith.subf %get3A_96, %sub3A_140 : vector<16xf32>
        %max3A_142 = arith.constant 0.000000e+00 : f32
        %max3A_143 = vector.broadcast %max3A_142 : f32 to vector<16xf32>
        %max3A_144 = arith.maximumf %sub3A_141, %max3A_143 : vector<16xf32>
        %add3A_145 = arith.addf %while3A_117, %max3A_144 : vector<16xf32>
        %sub3A_146 = vector.broadcast %get3A_122 : f32 to vector<16xf32>
        %sub3A_147 = arith.subf %get3A_103, %sub3A_146 : vector<16xf32>
        %max3A_148 = arith.constant 0.000000e+00 : f32
        %max3A_149 = vector.broadcast %max3A_148 : f32 to vector<16xf32>
        %max3A_150 = arith.maximumf %sub3A_147, %max3A_149 : vector<16xf32>
        %add3A_151 = arith.addf %while3A_118, %max3A_150 : vector<16xf32>
        %sub3A_152 = vector.broadcast %get3A_128 : f32 to vector<16xf32>
        %sub3A_153 = arith.subf %get3A_82, %sub3A_152 : vector<16xf32>
        %max3A_154 = arith.constant 0.000000e+00 : f32
        %max3A_155 = vector.broadcast %max3A_154 : f32 to vector<16xf32>
        %max3A_156 = arith.maximumf %sub3A_153, %max3A_155 : vector<16xf32>
        %add3A_157 = arith.addf %add3A_133, %max3A_156 : vector<16xf32>
        %sub3A_158 = vector.broadcast %get3A_128 : f32 to vector<16xf32>
        %sub3A_159 = arith.subf %get3A_89, %sub3A_158 : vector<16xf32>
        %max3A_160 = arith.constant 0.000000e+00 : f32
        %max3A_161 = vector.broadcast %max3A_160 : f32 to vector<16xf32>
        %max3A_162 = arith.maximumf %sub3A_159, %max3A_161 : vector<16xf32>
        %add3A_163 = arith.addf %add3A_139, %max3A_162 : vector<16xf32>
        %sub3A_164 = vector.broadcast %get3A_128 : f32 to vector<16xf32>
        %sub3A_165 = arith.subf %get3A_96, %sub3A_164 : vector<16xf32>
        %max3A_166 = arith.constant 0.000000e+00 : f32
        %max3A_167 = vector.broadcast %max3A_166 : f32 to vector<16xf32>
        %max3A_168 = arith.maximumf %sub3A_165, %max3A_167 : vector<16xf32>
        %add3A_169 = arith.addf %add3A_145, %max3A_168 : vector<16xf32>
        %sub3A_170 = vector.broadcast %get3A_128 : f32 to vector<16xf32>
        %sub3A_171 = arith.subf %get3A_103, %sub3A_170 : vector<16xf32>
        %max3A_172 = arith.constant 0.000000e+00 : f32
        %max3A_173 = vector.broadcast %max3A_172 : f32 to vector<16xf32>
        %max3A_174 = arith.maximumf %sub3A_171, %max3A_173 : vector<16xf32>
        %add3A_175 = arith.addf %add3A_151, %max3A_174 : vector<16xf32>
        scf.yield %add3A_157, %add3A_163, %add3A_169, %add3A_175 : vector<16xf32>, vector<16xf32>, vector<16xf32>, vector<16xf32>
      }
      %while3A_112 = arith.constant 1 : i32
      %while3A_113:4 = scf.for %while3A_114 = %while3A_109 to %while3A_105 step %while3A_112 iter_args(%while3A_115 = %while3A_111#0, %while3A_116 = %while3A_111#1, %while3A_117 = %while3A_111#2, %while3A_118 = %while3A_111#3) -> (vector<16xf32>, vector<16xf32>, vector<16xf32>, vector<16xf32>)  : i32 {
        %mul3A_119 = arith.constant 2 : i32
        %mul3A_120 = arith.muli %mul3A_119, %while3A_114 : i32
        %get3A_121 = arith.index_cast %mul3A_120 : i32 to index
        %get3A_122 = memref.load %arg9[%get3A_121] : memref<130xf32, #tpu.memory_space<smem>>
        %mul3A_123 = arith.constant 2 : i32
        %mul3A_124 = arith.muli %mul3A_123, %while3A_114 : i32
        %add3A_125 = arith.constant 1 : i32
        %add3A_126 = arith.addi %mul3A_124, %add3A_125 : i32
        %get3A_127 = arith.index_cast %add3A_126 : i32 to index
        %get3A_128 = memref.load %arg9[%get3A_127] : memref<130xf32, #tpu.memory_space<smem>>
        %sub3A_129 = vector.broadcast %get3A_122 : f32 to vector<16xf32>
        %sub3A_130 = arith.subf %get3A_82, %sub3A_129 : vector<16xf32>
        %max3A = arith.constant 0.000000e+00 : f32
        %max3A_131 = vector.broadcast %max3A : f32 to vector<16xf32>
        %max3A_132 = arith.maximumf %sub3A_130, %max3A_131 : vector<16xf32>
        %add3A_133 = arith.addf %while3A_115, %max3A_132 : vector<16xf32>
        %sub3A_134 = vector.broadcast %get3A_122 : f32 to vector<16xf32>
        %sub3A_135 = arith.subf %get3A_89, %sub3A_134 : vector<16xf32>
        %max3A_136 = arith.constant 0.000000e+00 : f32
        %max3A_137 = vector.broadcast %max3A_136 : f32 to vector<16xf32>
        %max3A_138 = arith.maximumf %sub3A_135, %max3A_137 : vector<16xf32>
        %add3A_139 = arith.addf %while3A_116, %max3A_138 : vector<16xf32>
        %sub3A_140 = vector.broadcast %get3A_122 : f32 to vector<16xf32>
        %sub3A_141 = arith.subf %get3A_96, %sub3A_140 : vector<16xf32>
        %max3A_142 = arith.constant 0.000000e+00 : f32
        %max3A_143 = vector.broadcast %max3A_142 : f32 to vector<16xf32>
        %max3A_144 = arith.maximumf %sub3A_141, %max3A_143 : vector<16xf32>
        %add3A_145 = arith.addf %while3A_117, %max3A_144 : vector<16xf32>
        %sub3A_146 = vector.broadcast %get3A_122 : f32 to vector<16xf32>
        %sub3A_147 = arith.subf %get3A_103, %sub3A_146 : vector<16xf32>
        %max3A_148 = arith.constant 0.000000e+00 : f32
        %max3A_149 = vector.broadcast %max3A_148 : f32 to vector<16xf32>
        %max3A_150 = arith.maximumf %sub3A_147, %max3A_149 : vector<16xf32>
        %add3A_151 = arith.addf %while3A_118, %max3A_150 : vector<16xf32>
        %sub3A_152 = vector.broadcast %get3A_128 : f32 to vector<16xf32>
        %sub3A_153 = arith.subf %get3A_82, %sub3A_152 : vector<16xf32>
        %max3A_154 = arith.constant 0.000000e+00 : f32
        %max3A_155 = vector.broadcast %max3A_154 : f32 to vector<16xf32>
        %max3A_156 = arith.maximumf %sub3A_153, %max3A_155 : vector<16xf32>
        %add3A_157 = arith.addf %add3A_133, %max3A_156 : vector<16xf32>
        %sub3A_158 = vector.broadcast %get3A_128 : f32 to vector<16xf32>
        %sub3A_159 = arith.subf %get3A_89, %sub3A_158 : vector<16xf32>
        %max3A_160 = arith.constant 0.000000e+00 : f32
        %max3A_161 = vector.broadcast %max3A_160 : f32 to vector<16xf32>
        %max3A_162 = arith.maximumf %sub3A_159, %max3A_161 : vector<16xf32>
        %add3A_163 = arith.addf %add3A_139, %max3A_162 : vector<16xf32>
        %sub3A_164 = vector.broadcast %get3A_128 : f32 to vector<16xf32>
        %sub3A_165 = arith.subf %get3A_96, %sub3A_164 : vector<16xf32>
        %max3A_166 = arith.constant 0.000000e+00 : f32
        %max3A_167 = vector.broadcast %max3A_166 : f32 to vector<16xf32>
        %max3A_168 = arith.maximumf %sub3A_165, %max3A_167 : vector<16xf32>
        %add3A_169 = arith.addf %add3A_145, %max3A_168 : vector<16xf32>
        %sub3A_170 = vector.broadcast %get3A_128 : f32 to vector<16xf32>
        %sub3A_171 = arith.subf %get3A_103, %sub3A_170 : vector<16xf32>
        %max3A_172 = arith.constant 0.000000e+00 : f32
        %max3A_173 = vector.broadcast %max3A_172 : f32 to vector<16xf32>
        %max3A_174 = arith.maximumf %sub3A_171, %max3A_173 : vector<16xf32>
        %add3A_175 = arith.addf %add3A_151, %max3A_174 : vector<16xf32>
        scf.yield %add3A_157, %add3A_163, %add3A_169, %add3A_175 : vector<16xf32>, vector<16xf32>, vector<16xf32>, vector<16xf32>
      }
      scf.yield %while3A_113#0, %while3A_113#1, %while3A_113#2, %while3A_113#3 : vector<16xf32>, vector<16xf32>, vector<16xf32>, vector<16xf32>
    }
    %scan3A_48 = arith.constant 64 : i32
    %add3A_49 = arith.addf %scan3A_47#0, %scan3A_47#1 : vector<16xf32>
    %add3A_50 = arith.addf %scan3A_47#2, %scan3A_47#3 : vector<16xf32>
    %add3A_51 = arith.addf %add3A_49, %add3A_50 : vector<16xf32>
    %swap3A_52 = arith.constant 0 : index
    %swap3A_53 = tpu.vector_load %arg10[%swap3A_52] {strides = array<i32>} : memref<16xf32, #tpu.memory_space<vmem>>, vector<16xf32>,
    %swap3A_54 = vector.shape_cast %swap3A_53 : vector<16xf32> to vector<16xf32>
    %swap3A_55 = vector.shape_cast %add3A_51 : vector<16xf32> to vector<16xf32>
    tpu.vector_store %arg10[%swap3A_52], %swap3A_55 {strides = array<i32>} : memref<16xf32, #tpu.memory_space<vmem>>, vector<16xf32>,
    "tpu.region"() ({
      %run_scoped3A = tpu.sem_alloc : memref<!tpu.dma_semaphore, #tpu.memory_space<semaphore_mem>>
      %dma_start3A = arith.constant 0 : i32
      %dma_start3A_74 = tpu.memref_slice %arg4[%add3A, %dma_start3A] : memref<32x16xf32, #tpu.memory_space<hbm>> -> memref<1x16xf32, #tpu.memory_space<hbm>>
      %dma_start3A_75 = tpu.memref_squeeze %dma_start3A_74 : memref<1x16xf32, #tpu.memory_space<hbm>> -> memref<16xf32, #tpu.memory_space<hbm>>
      %dma_start3A_76 = arith.constant 0 : i32
      %dma_start3A_77 = tpu.memref_slice %arg4[%add3A, %dma_start3A_76] : memref<32x16xf32, #tpu.memory_space<hbm>> -> memref<1x16xf32, #tpu.memory_space<hbm>>
      %dma_start3A_78 = tpu.memref_squeeze %dma_start3A_77 : memref<1x16xf32, #tpu.memory_space<hbm>> -> memref<16xf32, #tpu.memory_space<hbm>>
      tpu.enqueue_dma source(%arg10 : memref<16xf32, #tpu.memory_space<vmem>>) target(%dma_start3A_78 : memref<16xf32, #tpu.memory_space<hbm>>) target_semaphore(%run_scoped3A : memref<!tpu.dma_semaphore, #tpu.memory_space<semaphore_mem>>)
      %dma_wait3A = arith.constant 0 : i32
      %dma_wait3A_79 = tpu.memref_slice %arg4[%add3A, %dma_wait3A] : memref<32x16xf32, #tpu.memory_space<hbm>> -> memref<1x16xf32, #tpu.memory_space<hbm>>
      %dma_wait3A_80 = tpu.memref_squeeze %dma_wait3A_79 : memref<1x16xf32, #tpu.memory_space<hbm>> -> memref<16xf32, #tpu.memory_space<hbm>>
      %dma_wait3A_81 = arith.constant 0 : i32
      %dma_wait3A_82 = tpu.memref_slice %arg4[%add3A, %dma_wait3A_81] : memref<32x16xf32, #tpu.memory_space<hbm>> -> memref<1x16xf32, #tpu.memory_space<hbm>>
      %dma_wait3A_83 = tpu.memref_squeeze %dma_wait3A_82 : memref<1x16xf32, #tpu.memory_space<hbm>> -> memref<16xf32, #tpu.memory_space<hbm>>
      tpu.wait_dma2 semaphore(%run_scoped3A : memref<!tpu.dma_semaphore, #tpu.memory_space<semaphore_mem>>) src(%arg10 : memref<16xf32, #tpu.memory_space<vmem>>) dst(%dma_wait3A_83 : memref<16xf32, #tpu.memory_space<hbm>>)
      tpu.yield
    }) : () -> ()
    %iota3A = tpu.iota {dimensions = array<i32: 0>} : vector<16xi32>
    %sub3A_56 = arith.constant 128 : i32
    %sub3A_57 = arith.subi %sub3A_56, %scan3A_14 : i32
    %eq3A = arith.constant 0 : i32
    %eq3A_58 = vector.broadcast %eq3A : i32 to vector<16xi32>
    %eq3A_59 = arith.cmpi eq, %iota3A, %eq3A_58 : vector<16xi32>
    %convert_element_type3A = arith.sitofp %scan3A_14 : i32 to f32
    %eq3A_60 = arith.constant 1 : i32
    %eq3A_61 = vector.broadcast %eq3A_60 : i32 to vector<16xi32>
    %eq3A_62 = arith.cmpi eq, %iota3A, %eq3A_61 : vector<16xi32>
    %convert_element_type3A_63 = arith.sitofp %sub3A_57 : i32 to f32
    %jit3A_64 = arith.constant 0.000000e+00 : f32
    %broadcast_in_dim3A_65 = vector.broadcast %convert_element_type3A_63 : f32 to vector<16xf32>
    %broadcast_in_dim3A_66 = vector.broadcast %jit3A_64 : f32 to vector<16xf32>
    %select_n3A_67 = arith.select %eq3A_62, %broadcast_in_dim3A_65, %broadcast_in_dim3A_66 : vector<16xi1>, vector<16xf32>
    %broadcast_in_dim3A_68 = vector.broadcast %convert_element_type3A : f32 to vector<16xf32>
    %select_n3A_69 = arith.select %eq3A_59, %broadcast_in_dim3A_68, %select_n3A_67 : vector<16xi1>, vector<16xf32>
    %swap3A_70 = arith.constant 0 : index
    %swap3A_71 = tpu.vector_load %arg11[%swap3A_70] {strides = array<i32>} : memref<16xf32, #tpu.memory_space<vmem>>, vector<16xf32>,
    %swap3A_72 = vector.shape_cast %swap3A_71 : vector<16xf32> to vector<16xf32>
    %swap3A_73 = vector.shape_cast %select_n3A_69 : vector<16xf32> to vector<16xf32>
    tpu.vector_store %arg11[%swap3A_70], %swap3A_73 {strides = array<i32>} : memref<16xf32, #tpu.memory_space<vmem>>, vector<16xf32>,
    "tpu.region"() ({
      %run_scoped3A = tpu.sem_alloc : memref<!tpu.dma_semaphore, #tpu.memory_space<semaphore_mem>>
      %dma_start3A = arith.constant 0 : i32
      %dma_start3A_74 = tpu.memref_slice %arg5[%add3A, %dma_start3A] : memref<32x16xf32, #tpu.memory_space<hbm>> -> memref<1x16xf32, #tpu.memory_space<hbm>>
      %dma_start3A_75 = tpu.memref_squeeze %dma_start3A_74 : memref<1x16xf32, #tpu.memory_space<hbm>> -> memref<16xf32, #tpu.memory_space<hbm>>
      %dma_start3A_76 = arith.constant 0 : i32
      %dma_start3A_77 = tpu.memref_slice %arg5[%add3A, %dma_start3A_76] : memref<32x16xf32, #tpu.memory_space<hbm>> -> memref<1x16xf32, #tpu.memory_space<hbm>>
      %dma_start3A_78 = tpu.memref_squeeze %dma_start3A_77 : memref<1x16xf32, #tpu.memory_space<hbm>> -> memref<16xf32, #tpu.memory_space<hbm>>
      tpu.enqueue_dma source(%arg11 : memref<16xf32, #tpu.memory_space<vmem>>) target(%dma_start3A_78 : memref<16xf32, #tpu.memory_space<hbm>>) target_semaphore(%run_scoped3A : memref<!tpu.dma_semaphore, #tpu.memory_space<semaphore_mem>>)
      %dma_wait3A = arith.constant 0 : i32
      %dma_wait3A_79 = tpu.memref_slice %arg5[%add3A, %dma_wait3A] : memref<32x16xf32, #tpu.memory_space<hbm>> -> memref<1x16xf32, #tpu.memory_space<hbm>>
      %dma_wait3A_80 = tpu.memref_squeeze %dma_wait3A_79 : memref<1x16xf32, #tpu.memory_space<hbm>> -> memref<16xf32, #tpu.memory_space<hbm>>
      %dma_wait3A_81 = arith.constant 0 : i32
      %dma_wait3A_82 = tpu.memref_slice %arg5[%add3A, %dma_wait3A_81] : memref<32x16xf32, #tpu.memory_space<hbm>> -> memref<1x16xf32, #tpu.memory_space<hbm>>
      %dma_wait3A_83 = tpu.memref_squeeze %dma_wait3A_82 : memref<1x16xf32, #tpu.memory_space<hbm>> -> memref<16xf32, #tpu.memory_space<hbm>>
      tpu.wait_dma2 semaphore(%run_scoped3A : memref<!tpu.dma_semaphore, #tpu.memory_space<semaphore_mem>>) src(%arg11 : memref<16xf32, #tpu.memory_space<vmem>>) dst(%dma_wait3A_83 : memref<16xf32, #tpu.memory_space<hbm>>)
      tpu.yield
    }) : () -> ()
    return
  }
}

</mosaic_0001>

<sc_bundles>
// kernel: kernel.3.cloned.1.call-start
scs
__scs_entry_jumppad:
0x0: {  	(pc) =	sbr.rel $0x88, $3  }
0x1: {  	(tag) =	ssettag $0x0;
	lr =	simm.s32 $0x1  }
0x2: {  	[smem:$0x3F9F] =	sst lr;
	_ =	strace $0xD0000000  }
0x3: {  	_ = 	snop  }
0x4: {  	_ = 	snop  }
0x5: {  	_ = 	snop  }
0x6: {  	_ = 	snop  }
0x7: {  	_ = 	snop  }
__scs_overlays_trampoline_lowered:
0x8: {  	[smem:$0x3FAE] =	sst s0  }
0x9: {  	[smem:$0x3FAF] =	sst s1  }
0xa: {  	[smem:$0x3FB0] =	sst s2  }
0xb: {  	[smem:$0x3FB1] =	sst s3  }
0xc: {  	[smem:$0x3FB2] =	sst s4  }
0xd: {  	[smem:$0x3FB3] =	sst s5  }
0xe: {  	[smem:$0x3FB4] =	sst s6  }
0xf: {  	[smem:$0x3FB5] =	sst s7  }
0x10: {  	[smem:$0x3FB6] =	sst s8  }
0x11: {  	[smem:$0x3FB7] =	sst s9;
	s0 =	simm.s32 @!p0 $0x0  }
0x12: {  	s1 =	sld [smem:$0x3F9D];
	s0 =	simm.s32 @p0 $0x1  }
0x13: {  	[smem:$0x3FB8] =	sst s0;
	s0 =	simm.s32 @!p1 $0x0  }
0x14: {  	s2 =	sld [smem:$0x3F9C];
	s0 =	simm.s32 @p1 $0x1  }
0x15: {  	[smem:$0x3FB9] =	sst s0;
	s0 =	simm.s32 @!p2 $0x0  }
0x16: {  	s3 =	sld [smem:$0x3FDB];
	s0 =	simm.s32 @p2 $0x1  }
0x17: {  	s4 =	simm.s32 $0x1BF5;
	[smem:$0x3FBB] =	sst s0  }
0x18: {  	s0 =	sld [smem:$0x3F9E];
	_ =	swait.ge [sflag:s4], $0x0  }
0x19: {  	s7 =	sld [smem:$0x3F9F]  }
0x1a: {  	s8 =	sadd.s32 $0xFFFFE003, lr  }
0x1b: {  	s9 =	sadd.s32 $0xFFFFFEF7, lr;
	s5 =	simm.s32 $0xFFFFFFFF;
	p2 =	slt.u32 s8, $0xFFFFF086  }
0x1c: {  	p1 =	slt.u32 s9, $0xF7A;
	s5 =	simm.s32 @!p2 $0x0  }
0x1d: {  	s5 =	simm.s32 @p1 $0x1;
	p0 =	seq.s32 s7, s2  }
0x1e: {  	s7 =	smul.u32 @!p0 $0xF7A, s2;
	p2 =	seq.s32 @!p0 s5, $0x0  }
0x1f: {  	s9 =	smul.u32 $0xF7A, s1;
	s8 =	simm.s32 @!p0 $0x1BF5;
	p2 =	por !p2, p0  }
0x20: {  	[sflag:s8] =	ssyncset.s32 @!p0 $0xFFFFF086;
	s6 =	sadd.s32 @!p0 s3, s7;
	s7 =	simm.s32 @!p0 $0x108  }
0x21: {  	s3 =	sadd.s32 s3, s9;
	s6 =	sadd.s32 @!p0 $0x88, s6;
	s7 =	simm.s32 @p2 $0x1082  }
0x22: {  	[simem:s7], [sflag:s8] =	dma.local @!p0 [hbm:s6], $0xF7A  }
0x23: {  	s9 =	sor.u32 $0xD0000000, s2;
	s6 =	simm.s32 $0x108;
	_ =	swait.ge @!p0 [sflag:s8], $0x0  }
0x24: {  	s3 =	sadd.s32 $0x88, s3;
	s6 =	simm.s32 @!p1 $0x1082;
	[sflag:s4] =	ssyncset.s32 $0xFFFFF086  }
0x25: {  	[simem:s6], [sflag:s4] =	dma.local [hbm:s3], $0xF7A  }
0x26: {  	[smem:$0x3F9F] =	sst s1;
	(tag) =	ssettag s2;
	_ =	strace s9  }
0x27: {  	s1 =	sld [smem:$0x3FAF]  }
0x28: {  	s2 =	sld [smem:$0x3FB0]  }
0x29: {  	s4 =	sld [smem:$0x3FB2]  }
0x2a: {  	p0 =	seq.s32 s5, $0x0;
	s5 =	sld [smem:$0x3FB3]  }
0x2b: {  	s6 =	sld [smem:$0x3FB4]  }
0x2c: {  	s7 =	sld [smem:$0x3FB5]  }
0x2d: {  	s3 =	simm.s32 $0x108;
	s8 =	sld [smem:$0x3FB6]  }
0x2e: {  	s3 =	simm.s32 @!p0 $0x1082;
	s9 =	sld [smem:$0x3FB7]  }
0x2f: {  	lr =	sadd.s32 s0, s3;
	s0 =	sld [smem:$0x3FAE]  }
0x30: {  	s3 =	sld [smem:$0x3FB1]  }
0x31: {  	[smem:$0x3FBA] =	sst s10  }
0x32: {  	s10 =	sld [smem:$0x3FB8];
	_ =	sdelay $0x3  }
0x33: {  	p0 =	seq.s32 s10, $0x1;
	s10 =	sld [smem:$0x3FBA];
	_ =	sdelay $0x3  }
0x34: {  	[smem:$0x3FBA] =	sst s10  }
0x35: {  	s10 =	sld [smem:$0x3FB9];
	_ =	sdelay $0x3  }
0x36: {  	p1 =	seq.s32 s10, $0x1;
	s10 =	sld [smem:$0x3FBA];
	_ =	sdelay $0x3  }
0x37: {  	[smem:$0x3FBA] =	sst s10  }
0x38: {  	s10 =	sld [smem:$0x3FBB]  }
0x39: {  	_ = 	snop;
	(pc) =	sbr.ind lr, $3  }
0x3a: {  	_ = 	snop  }
0x3b: {  	_ = 	snop  }
0x3c: {  	p2 =	seq.s32 s10, $0x1;
	s10 =	sld [smem:$0x3FBA]  }
0x3d: {  	_ =	shalt  }
0x3e: {  	_ =	shalt  }
0x3f: {  	_ =	shalt  }
0x40: {  	_ =	shalt  }
0x41: {  	_ =	shalt  }
0x42: {  	_ =	shalt  }
0x43: {  	_ =	shalt  }
0x44: {  	_ =	shalt  }
0x45: {  	_ =	shalt  }
0x46: {  	_ =	shalt  }
0x47: {  	_ =	shalt  }
0x48: {  	_ =	shalt  }
0x49: {  	_ =	shalt  }
0x4a: {  	_ =	shalt  }
0x4b: {  	_ =	shalt  }
0x4c: {  	_ =	shalt  }
0x4d: {  	_ =	shalt  }
0x4e: {  	_ =	shalt  }
0x4f: {  	_ =	shalt  }
0x50: {  	_ =	shalt  }
0x51: {  	_ =	shalt  }
0x52: {  	_ =	shalt  }
0x53: {  	_ =	shalt  }
0x54: {  	_ =	shalt  }
0x55: {  	_ =	shalt  }
0x56: {  	_ =	shalt  }
0x57: {  	_ =	shalt  }
0x58: {  	_ =	shalt  }
0x59: {  	_ =	shalt  }
0x5a: {  	_ =	shalt  }
0x5b: {  	_ =	shalt  }
0x5c: {  	_ =	shalt  }
0x5d: {  	_ =	shalt  }
0x5e: {  	_ =	shalt  }
0x5f: {  	_ =	shalt  }
0x60: {  	_ =	shalt  }
0x61: {  	_ =	shalt  }
0x62: {  	_ =	shalt  }
0x63: {  	_ =	shalt  }
0x64: {  	_ =	shalt  }
0x65: {  	_ =	shalt  }
0x66: {  	_ =	shalt  }
0x67: {  	_ =	shalt  }
0x68: {  	_ =	shalt  }
0x69: {  	_ =	shalt  }
0x6a: {  	_ =	shalt  }
0x6b: {  	_ =	shalt  }
0x6c: {  	_ =	shalt  }
0x6d: {  	_ =	shalt  }
0x6e: {  	_ =	shalt  }
0x6f: {  	_ =	shalt  }
0x70: {  	_ =	shalt  }
0x71: {  	_ =	shalt  }
0x72: {  	_ =	shalt  }
0x73: {  	_ =	shalt  }
0x74: {  	_ =	shalt  }
0x75: {  	_ =	shalt  }
0x76: {  	_ =	shalt  }
0x77: {  	_ =	shalt  }
0x78: {  	_ =	shalt  }
0x79: {  	_ =	shalt  }
0x7a: {  	_ =	shalt  }
0x7b: {  	_ =	shalt  }
0x7c: {  	_ =	shalt  }
0x7d: {  	_ =	shalt  }
0x7e: {  	_ =	shalt  }
0x7f: {  	_ =	shalt  }
0x80: {  	_ =	shalt  }
0x81: {  	_ =	shalt  }
0x82: {  	_ =	shalt  }
0x83: {  	_ =	shalt  }
0x84: {  	_ =	shalt  }
0x85: {  	_ =	shalt  }
0x86: {  	_ =	shalt  }
0x87: {  	_ =	shalt  }
.Lfunc_end0:
.L_simem_size_0:
called_computation_lowered:
.L_overlay_start_0:
0x88: {  	s2 =	sld [smem:$0x3FD9]  }
0x89: {  	s3 =	sld [smem:$0x3FFE];
	_ =	sdelay $0x1  }
0x8a: {  	s1 =	srdreg.scid  }
0x8b: {  	s0 =	sand.u32 $0x1, s1  }
0x8c: {  	s17 =	sshll.u32 s0, $0xA;
	s2 =	sadd.s32 s3, s2  }
0x8d: {  	s2 =	sadd.s32 s2, s17  }
0x8e: {  	[smem:$0x3FC6] =	sst s2  }
0x8f: {  	_ = 	snop  }
0x90: {  	s2 =	sld [smem:$0x3FC9]  }
0x91: {  	s18 =	sld [smem:$0x3FC8];
	(tm) =	ssettm $0x1  }
0x92: {  	s4 =	sld [smem:$0x3FFB];
	_ =	sdelay $0x3  }
0x93: {  	_ =	strace s4  }
0x94: {  	s4 =	sld [smem:$0x3FFC];
	_ =	sdelay $0x3  }
0x95: {  	_ =	strace s4  }
0x96: {  	s4 =	sld [smem:$0x3FFD];
	_ =	sdelay $0x3  }
0x97: {  	_ =	strace s4  }
0x98: {  	_ =	strace $0x8FFFFFFF  }
0x99: {  	s19 =	sld [smem:$0x3FDB];
	_ =	sdelay $0x1  }
0x9a: {  	s5 =	simm.s32 $_scs_section_size  }
0x9b: {  	s6 =	simm.s32 $_size__tile_overlayer_lowered;
	s7 =	simm.s32 $_tile_overlayer_lowered  }
0x9c: {  	s22 =	simm.s32 $0x1BFF;
	s21 =	sshll.u32 s7, $0x1;
	s4 =	sadd.s32 s5, s19  }
0x9d: {  	s8 =	simm.s32 $0x0;
	s20 =	sshll.u32 s6, $0x1;
	s6 =	sadd.s32 s21, s4  }
0x9e: {  	[timem:s8], [sflag:s22] =	dma.local [hbm:s6], s20  }
0x9f: {  	_ =	swait.ge [sflag:s22], s20  }
0xa0: {  	s5 =	ssub.s32 $0x0, s20;
	[sflag:s22] =	ssyncset.done $0x0  }
0xa1: {  	[sflag:s22] =	ssyncadd.s32 s5;
	_ =	sdelay $0x1  }
0xa2: {  	s23 =	simm.s32 $0x1B8B  }
0xa3: {  	_ =	swait.ge [sflag:s23], $0x1  }
0xa4: {  	[sflag:s23] =	ssyncset.done $0x0  }
0xa5: {  	s25 =	simm.s32 $0x1B8E;
	s24 =	sld [smem:$0x3FFE];
	[sflag:s23] =	ssyncadd.s32 $0xFFFFFFFF  }
0xa6: {  	s26 =	simm.s32 $execute0_lowered;
	[smem:$0x3FD2] =	sst s25  }
0xa7: {  	s6 =	sshll.u32 s26, $0x1;
	_ =	strace $0x80000046;
	[dreg:$0x1] =	wrdreg $0xFFFFFFFF  }
0xa8: {  	s28 =	simm.s32 $_size_execute0_lowered;
	s4 =	sadd.s32 s4, s6;
	[dreg:$0x0] =	wrdreg $0x0  }
0xa9: {  	s6 =	sshll.u32 s28, $0x1;
	[dreg:$0x2] =	wrdreg s4  }
0xaa: {  	[dreg:$0x3] =	wrdreg s6  }
0xab: {  	[dreg:$0x4] =	wrdreg $0xC0  }
0xac: {  	_ =	task [dreg:s8], $0x5FFFF  }
0xad: {  	[dreg:$0x1] =	wrdreg $0xFFFFFFFF  }
0xae: {  	[dreg:$0x0] =	wrdreg $0x60  }
0xaf: {  	[dreg:$0x2] =	wrdreg s2  }
0xb0: {  	[dreg:$0x3] =	wrdreg s18  }
0xb1: {  	[dreg:$0x4] =	wrdreg s24  }
0xb2: {  	[dreg:$0x5] =	wrdreg $0x9  }
0xb3: {  	_ =	task.clear_ibuf [dreg:s8], $0x6FFFF;
	_ =	strace $0x90000046  }
0xb4: {  	s29 =	simm.s32 $0x9;
	_ =	strace $0x80000048  }
0xb5: {  	_ =	swait.ge [sflag:s29], $0x1  }
0xb6: {  	[sflag:s29] =	ssyncadd.s32 $0xFFFFFFFF  }
0xb7: {  	_ =	strace $0x90000048  }
0xb8: {  	_ =	sfence  }
0xb9: {  	s30 =	sld [smem:$0x0];
	_ =	sdelay $0x2  }
0xba: {  	s31 =	sshll.u32 s1, $0xD;
	s1 =	sshrl.u32 s1, $0x2  }
0xbb: {  	s3 =	sand.u32 $0x4000, s31;
	s1 =	sadd.s32 s1, s30  }
0xbc: {  	s0 =	sor.u32 s3, s0;
	s1 =	sshll.u32 s1, $0x11  }
0xbd: {  	s0 =	sor.u32 s1, s0  }
0xbe: {  	s0 =	sadd.s32 $0x8F2B, s0  }
0xbf: {  	[sflag:s0] =	ssyncadd.remote.s32 $0x1  }
0xc0: {  	_ =	sfence.sel $0xFFFF  }
0xc1: {  	[dreg:$0x0] =	wrdreg $0xFFFFFFFF;
	(pc) =	sbr.abs _section_cstart, $3  }
0xc2: {  	[dreg:$0x1] =	wrdreg $0xFFFFFFFF  }
0xc3: {  	_ =	task.clear_ibuf [dreg:s8], $0x2FFFF;
	_ =	strace $0x9FFFFFFF  }
0xc4: {  	(tm) =	ssettm $0x7FFFFFFF  }
0xc5: {  	_ =	shalt  }
tec
execute0_lowered:
.L_overlay_start_1:
0x0: {  	(tag) =	ssettag $0x1  }
0x1: {  	s5 =	rddreg [dreg:$0x2]  }
0x2: {  	s4 =	simm.s32 $0x0;
	s6 =	srdreg.scid;
	s0 =	stileid.u32  }
0x3: {  	s11 =	simm.s32 $0x3100;
	s12 =	simm.s32 $0x3180;
	[smem:$0x7FF] =	sst s4  }
0x4: {  	s7 =	sand.u32 $0x1, s6;
	s6 =	sshll.u32 s6, $0x8;
	s9 =	sshll.u32 s0, $0x4  }
0x5: {  	s31 =	sshll.u32 s0, $0x9;
	_ =	strace $0x80000047;
	s8 =	ssub.s32 $0x2, s7  }
.Ltmp0:
0x6: {  	s6 =	sor.u32 s6, s9;
	s7 =	sshll.u32 s7, $0xD;
	(pc) =	sbr.rel .LBB2_1-.Ltmp0, $4  }
0x7: {  	s10 =	sshrl.u32 s8, $0x1;
	s6 =	sand.u32 $0x1F0, s6;
	s7 =	sor.u32 s31, s7  }
0x8: {  	s8 =	ssub.s32 s8, s10;
	s5 =	sadd.s32 s5, s6;
	s13 =	sshrl.u32 s7, $0x2  }
0x9: {  	vm0 =	vcmask $0x300;
	s10 =	simm.s32 $0x7149F2CA;
	s6 =	sadd.s32 $0x200, s5;
	s14 =	sadd.s32 $0x1080, s13  }
0xa: {  	vm1 =	vcmask $0x704;
	s7 =	smax.u32 s8, $0x1;
	s8 =	simm.s32 $0x1;
	v1 =	vmov s13;
	s13 =	simm.s32 $0x0;
	v0 =	vmov s14  }
.LBB2_11:
0xb: {  	v4 =	vadd.f32 v8, v10;
	v2 =	vadd.f32 v2, v3;
	_ =	sdelay $0x1  }
0xc: {  	v2 =	vadd.f32 v2, v4;
	_ =	sdelay $0x1  }
0xd: {  	s0 =	scvt.s32.f32 s14;
	s1 =	ssub.s32 $0x80, s14;
	[tilespmem:$0x3100] =	vst v2  }
0xe: {  	[hbm4b:s6+s4] =	stream.linear.scatter [tilespmem:s11], [sflag:$0x1], $0x80, $0x38;
	[tilespmem:$0x3200] =	vst v63  }
0xf: {  	s1 =	scvt.s32.f32 s1;
	v2 =	vmov s0;
	_ =	swait.ge [sflag:s8], $0x80  }
0x10: {  	s13 =	sadd.s32 $0x1, s13;
	v2 =	vnsel vm0, $0x0, v2;
	[sflag:s8] =	ssyncset.done $0x0  }
0x11: {  	p0 =	sne.s32 s13, s7;
	v2 =	vsel vm1, s1, v2;
	[sflag:s8] =	ssyncadd.s32 $0xFFFFFF80  }
.Ltmp1:
0x12: {  	[tilespmem:$0x3180] =	vst v2;
	(pc) =	sbr.rel @!p0 .LBB2_12-.Ltmp1, $4  }
0x13: {  	[hbm4b:s5+s4] =	stream.linear.scatter [tilespmem:s12], [sflag:$0x1], $0x80, $0x38;
	[tilespmem:$0x3200] =	vst v63  }
0x14: {  	_ =	swait.ge [sflag:s8], $0x80  }
0x15: {  	[sflag:s8] =	ssyncset.done $0x0  }
0x16: {  	[sflag:s8] =	ssyncadd.s32 $0xFFFFFF80  }
.LBB2_1:
0x17: {  	s0 =	rddreg [dreg:$0x0]  }
0x18: {  	[tilespmem:s4], [sflag:$0x1] =	stream.linear.gather [hbm4b:s0+s4], $0x1000, $0x38;
	[tilespmem:$0x3200] =	vst v63  }
0x19: {  	_ =	swait.ge [sflag:s8], $0x1000  }
0x1a: {  	[sflag:s8] =	ssyncset.done $0x0  }
0x1b: {  	[sflag:s8] =	ssyncadd.s32 $0xFFFFF000  }
0x1c: {  	s1 =	simm.s32 $0x1080;
	s31 =	rddreg [dreg:$0x1]  }
0x1d: {  	[tilespmem:s1], [sflag:$0x1] =	stream.linear.gather [hbm4b:s31+s4], $0x1000, $0x38;
	[tilespmem:$0x3200] =	vst v63  }
0x1e: {  	_ =	swait.ge [sflag:s8], $0x1000  }
0x1f: {  	[sflag:s8] =	ssyncset.done $0x0  }
0x20: {  	s14 =	simm.s32 $0x10A0;
	[sflag:s8] =	ssyncadd.s32 $0xFFFFF000  }
0x21: {  	s15 =	simm.s32 $0x20;
	v2 =	vld [tilespmem:s14+$0xFFFFFFE0]  }
0x22: {  	v3 =	vld [tilespmem:s15+$0xFFFFFFE0];
	_ =	sdelay $0x3  }
0x23: {  	vm2 =	veq.s32 v2, $0x0  }
0x24: {  	s16 =	simm.s32 $0x2120;
	v2 =	vnsel vm2, $0xF149F2CA, v3  }
0x25: {  	[tilespmem:s16+$0xFFFFFFE0] =	vst v2  }
0x26: {  	v2 =	vld [tilespmem:s14+$0xFFFFFFF0]  }
0x27: {  	v3 =	vld [tilespmem:s15+$0xFFFFFFF0];
	_ =	sdelay $0x3  }
0x28: {  	vm2 =	veq.s32 v2, $0x0  }
0x29: {  	v2 =	vnsel vm2, $0xF149F2CA, v3  }
0x2a: {  	[tilespmem:s16+$0xFFFFFFF0] =	vst v2  }
0x2b: {  	v2 =	vld [tilespmem:s14+$0x0]  }
0x2c: {  	v3 =	vld [tilespmem:s15+$0x0];
	_ =	sdelay $0x3  }
0x2d: {  	vm2 =	veq.s32 v2, $0x0  }
0x2e: {  	v2 =	vnsel vm2, $0xF149F2CA, v3  }
0x2f: {  	[tilespmem:s16+$0x0] =	vst v2  }
0x30: {  	v2 =	vld [tilespmem:s14+$0x10]  }
0x31: {  	v3 =	vld [tilespmem:s15+$0x10];
	_ =	sdelay $0x3  }
0x32: {  	vm2 =	veq.s32 v2, $0x0  }
0x33: {  	v2 =	vnsel vm2, $0xF149F2CA, v3  }
0x34: {  	s17 =	simm.s32 $0x0;
	s18 =	simm.s32 $0x10E0;
	[tilespmem:s16+$0x10] =	vst v2  }
.LBB2_2:
0x35: {  	v2 =	vld [tilespmem:s18+$0xFFFFFFE0];
	s17 =	sadd.s32 $0x4, s17;
	s15 =	sadd.s32 $0x40, s15  }
0x36: {  	v3 =	vld [tilespmem:s15+$0xFFFFFFE0];
	p0 =	slt.u32 s17, $0xFC;
	_ =	sdelay $0x3  }
0x37: {  	vm2 =	veq.s32 v2, $0x0  }
0x38: {  	s16 =	sadd.s32 $0x40, s16;
	v2 =	vnsel vm2, $0xF149F2CA, v3  }
0x39: {  	[tilespmem:s16+$0xFFFFFFE0] =	vst v2  }
0x3a: {  	v2 =	vld [tilespmem:s18+$0xFFFFFFF0]  }
0x3b: {  	v3 =	vld [tilespmem:s15+$0xFFFFFFF0];
	_ =	sdelay $0x3  }
0x3c: {  	vm2 =	veq.s32 v2, $0x0  }
0x3d: {  	v2 =	vnsel vm2, $0xF149F2CA, v3  }
0x3e: {  	[tilespmem:s16+$0xFFFFFFF0] =	vst v2  }
0x3f: {  	v2 =	vld [tilespmem:s18+$0x0]  }
0x40: {  	v3 =	vld [tilespmem:s15+$0x0];
	_ =	sdelay $0x3  }
0x41: {  	vm2 =	veq.s32 v2, $0x0  }
0x42: {  	v2 =	vnsel vm2, $0xF149F2CA, v3  }
0x43: {  	[tilespmem:s16+$0x0] =	vst v2  }
0x44: {  	v2 =	vld [tilespmem:s18+$0x10]  }
0x45: {  	v3 =	vld [tilespmem:s15+$0x10];
	_ =	sdelay $0x1  }
.Ltmp2:
0x46: {  	(pc) =	sbr.rel @p0 .LBB2_2-.Ltmp2, $4  }
0x47: {  	_ = 	snop  }
0x48: {  	vm2 =	veq.s32 v2, $0x0  }
0x49: {  	v2 =	vnsel vm2, $0xF149F2CA, v3  }
0x4a: {  	s14 =	simm.s32 $0x0;
	s18 =	sadd.s32 $0x40, s18;
	[tilespmem:s16+$0x10] =	vst v2  }
0x4b: {  	_ =	sdelay $0x2  }
0x4c: {  	s15 =	simm.s32 $0x0  }
0x4d: {  	v2 =	vld.idx.msk [tilespmem:v0+s15+$0x0 ss:$0x1], $0xffff;
	_ =	sdelay $0x4  }
0x4e: {  	(v2sf) =	vpush v2, $0x0  }
0x4f: {  	(v2sf) =	vpush v2, $0x1  }
0x50: {  	(v2sf) =	vpush v2, $0x2;
	_ =	sdelay $0x1  }
0x51: {  	(v2sf) =	vpush v2, $0x3;
	_ =	sdelay $0x1  }
0x52: {  	(v2sf) =	vpush v2, $0x4  }
0x53: {  	(v2sf) =	vpush v2, $0x5  }
0x54: {  	(v2sf) =	vpush v2, $0x6;
	_ =	sdelay $0x1  }
0x55: {  	(v2sf) =	vpush v2, $0x7;
	_ =	sdelay $0x1  }
0x56: {  	(v2sf) =	vpush v2, $0x8  }
0x57: {  	(v2sf) =	vpush v2, $0x9  }
0x58: {  	s21 =	simm.s32 $0x1;
	s24 =	simm.s32 $0x1;
	s25 =	simm.s32 $0x1;
	(v2sf) =	vpush v2, $0xA  }
0x59: {  	s29 =	simm.s32 $0x1;
	s20 =	simm.s32 $0x1;
	(v2sf) =	vpush v2, $0xB;
	s26 =	spop (v2sf)  }
0x5a: {  	s3 =	simm.s32 $0x1;
	(v2sf) =	vpush v2, $0xC;
	p5 =	sne.s32 s26, $0x1;
	s16 =	spop (v2sf)  }
0x5b: {  	v3 =	vld.idx.msk [tilespmem:v1+s15+$0x0 ss:$0x1], $0xffff;
	p0 =	seq.s32 s26, $0x1;
	s26 =	simm.s32 $0x1;
	s30 =	spop (v2sf)  }
0x5c: {  	(v2sf) =	vpush v2, $0xD;
	s21 =	simm.s32 @!p0 $0x0;
	p2 =	sne.s32 s16, $0x1;
	p0 =	seq.s32 s16, $0x1  }
0x5d: {  	s0 =	simm.s32 @!p2 $0x0;
	s23 =	spop (v2sf);
	p3 =	sne.s32 s30, $0x1  }
0x5e: {  	(v2sf) =	vpush v2, $0xE;
	p1 =	seq.s32 s30, $0x1;
	s29 =	simm.s32 @!p0 $0x0;
	s0 =	simm.s32 @p2 $0x1  }
0x5f: {  	(v2sf) =	vpush v2, $0xF;
	s1 =	spop (v2sf);
	p4 =	sne.s32 s23, $0x1;
	s24 =	simm.s32 @!p1 $0x0  }
0x60: {  	(v2sf) =	vpush @!p5 v3, $0x0;
	[smem:$0x7F1] =	sst s0;
	s0 =	simm.s32 @!p3 $0x0;
	s2 =	spop (v2sf)  }
0x61: {  	(v2sf) =	vpush @!p2 v3, $0x1;
	p1 =	seq.s32 s1, $0x1;
	s0 =	simm.s32 @p3 $0x1;
	s18 =	spop (v2sf)  }
0x62: {  	(v2sf) =	vpush @!p3 v3, $0x2;
	p3 =	sne.s32 s1, $0x1;
	s25 =	simm.s32 @!p1 $0x0;
	p1 =	sne.s32 s2, $0x1  }
0x63: {  	[smem:$0x7F2] =	sst s0;
	s0 =	simm.s32 @!p4 $0x0;
	s28 =	spop (v2sf)  }
0x64: {  	(v2sf) =	vpush @!p4 v3, $0x3;
	p2 =	sne.s32 s18, $0x1;
	p0 =	seq.s32 s18, $0x1;
	s0 =	simm.s32 @p4 $0x1  }
0x65: {  	(v2sf) =	vpush @!p3 v3, $0x4;
	s9 =	spop (v2sf);
	s26 =	simm.s32 @!p0 $0x0;
	p0 =	sne.s32 s28, $0x1  }
0x66: {  	(v2sf) =	vpush @!p1 v3, $0x5;
	[smem:$0x7F3] =	sst s0;
	s17 =	spop (v2sf);
	s0 =	simm.s32 @!p2 $0x0  }
0x67: {  	(v2sf) =	vpush @!p2 v3, $0x6;
	s0 =	simm.s32 @p2 $0x1;
	s22 =	spop (v2sf);
	p2 =	seq.s32 s9, $0x1  }
0x68: {  	[smem:$0x7F4] =	sst s0;
	s31 =	spop (v2sf);
	s0 =	simm.s32 @!p0 $0x0  }
0x69: {  	s20 =	simm.s32 @!p2 $0x0;
	p2 =	seq.s32 s23, $0x1;
	s18 =	spop (v2sf)  }
0x6a: {  	(v2sf) =	vpush @!p0 v3, $0x7;
	s0 =	simm.s32 @p0 $0x1;
	p0 =	sne.s32 s9, $0x1;
	s9 =	sld [smem:$0x7F2]  }
0x6b: {  	[smem:$0x7F6] =	sst s0;
	s0 =	simm.s32 @!p0 $0x0;
	s19 =	spop (v2sf)  }
0x6c: {  	(v2sf) =	vpush @!p0 v3, $0x8;
	p6 =	sne.s32 s18, $0x1;
	s0 =	simm.s32 @p0 $0x1;
	p0 =	sne.s32 s17, $0x1  }
0x6d: {  	s23 =	spop (v2sf);
	[smem:$0x7F7] =	sst s0;
	s0 =	simm.s32 @!p0 $0x0  }
0x6e: {  	(v2sf) =	vpush @!p0 v3, $0x9;
	s30 =	spop (v2sf);
	s0 =	simm.s32 @p0 $0x1;
	p0 =	sne.s32 s22, $0x1  }
0x6f: {  	[smem:$0x7F8] =	sst s0;
	s0 =	simm.s32 $0x1;
	s1 =	simm.s32 @!p0 $0x0  }
0x70: {  	s1 =	simm.s32 @p0 $0x1;
	s0 =	simm.s32 @!p2 $0x0;
	p2 =	seq.s32 s2, $0x1  }
0x71: {  	(v2sf) =	vpush @!p0 v3, $0xA;
	p0 =	sne.s32 s31, $0x1;
	s3 =	simm.s32 @!p2 $0x0;
	p2 =	sne.s32 s19, $0x1  }
0x72: {  	s15 =	spop @!p5 (v2sf);
	[smem:$0x7F5] =	sst s1;
	(v2sf) =	vpush @!p0 v3, $0xB;
	s1 =	simm.s32 @!p2 $0x0  }
0x73: {  	p4 =	sne.s32 s23, $0x1;
	[smem:s14] =	sst @!p5 s15;
	(v2sf) =	vpush @!p6 v3, $0xC;
	s1 =	simm.s32 @p2 $0x1  }
0x74: {  	(v2sf) =	vpush @!p2 v3, $0xD;
	p2 =	seq.s32 s28, $0x1;
	[smem:$0x7F9] =	sst s1;
	s1 =	simm.s32 $0x1  }
0x75: {  	s15 =	sld [smem:$0x7F1];
	s1 =	simm.s32 @!p2 $0x0;
	p2 =	sne.s32 s30, $0x1  }
0x76: {  	s16 =	simm.s32 $0x1;
	p5 =	por p0, p0;
	(v2sf) =	vpush @!p4 v3, $0xE;
	s2 =	simm.s32 @!p2 $0x0  }
0x77: {  	p0 =	seq.s32 s9, $0x1;
	(v2sf) =	vpush @!p2 v3, $0xF;
	s2 =	simm.s32 @p2 $0x1;
	p2 =	seq.s32 s31, $0x1  }
0x78: {  	s9 =	sld [smem:$0x7F3];
	s16 =	simm.s32 @!p2 $0x0;
	p2 =	seq.s32 s15, $0x1  }
0x79: {  	s21 =	sadd.s32 $0x0, s21;
	s14 =	spop @!p2 (v2sf)  }
0x7a: {  	s28 =	spop @!p0 (v2sf);
	[smem:s21] =	sst @!p2 s14  }
0x7b: {  	s14 =	sadd.s32 s29, s21;
	p2 =	seq.s32 s9, $0x1;
	s9 =	sld [smem:$0x7F8]  }
0x7c: {  	s21 =	spop @!p2 (v2sf);
	[smem:s14] =	sst @!p0 s28;
	s14 =	sadd.s32 s24, s14  }
0x7d: {  	[smem:s14] =	sst @!p2 s21  }
0x7e: {  	s24 =	spop @!p3 (v2sf);
	s0 =	sadd.s32 s0, s14;
	s21 =	sld [smem:$0x7F4]  }
0x7f: {  	[smem:s0] =	sst @!p3 s24  }
0x80: {  	s14 =	spop @!p1 (v2sf);
	s24 =	sld [smem:$0x7F5]  }
0x81: {  	s0 =	sadd.s32 s25, s0;
	s25 =	sld [smem:$0x7F6];
	p0 =	seq.s32 s21, $0x1  }
0x82: {  	[smem:s0] =	sst @!p1 s14;
	s0 =	sadd.s32 s3, s0;
	s21 =	spop @!p0 (v2sf)  }
0x83: {  	[smem:s0] =	sst @!p0 s21  }
0x84: {  	s31 =	simm.s32 $0x1;
	s0 =	sadd.s32 s26, s0;
	s26 =	sld [smem:$0x7F7]  }
0x85: {  	[smem:$0x7FC] =	sst s2;
	s15 =	simm.s32 $0x10;
	p3 =	por p6, p6  }
0x86: {  	v2 =	vld.idx.msk [tilespmem:v0+s15+$0x0 ss:$0x1], $0xffff;
	p6 =	seq.s32 s24, $0x1;
	p2 =	seq.s32 s25, $0x1;
	s24 =	simm.s32 $0x1  }
0x87: {  	s3 =	spop @!p2 (v2sf);
	p0 =	seq.s32 s9, $0x1;
	p1 =	seq.s32 s26, $0x1  }
0x88: {  	[smem:s0] =	sst @!p2 s3;
	s0 =	sadd.s32 s1, s0;
	s14 =	spop @!p1 (v2sf)  }
0x89: {  	p2 =	por p5, p5;
	s1 =	simm.s32 @!p3 $0x0;
	[smem:s0] =	sst @!p1 s14  }
0x8a: {  	s29 =	spop @!p0 (v2sf);
	p0 =	seq.s32 s22, $0x1;
	s14 =	sld [smem:$0x7F9]  }
0x8b: {  	(v2sf) =	vpush v2, $0x0;
	s28 =	spop @!p6 (v2sf);
	s31 =	simm.s32 @!p0 $0x0;
	p0 =	seq.s32 s17, $0x1  }
0x8c: {  	(v2sf) =	vpush v2, $0x1;
	s17 =	sadd.s32 s20, s0;
	s20 =	sld [smem:$0x7FC];
	s26 =	spop @!p5 (v2sf)  }
0x8d: {  	(v2sf) =	vpush v2, $0x2;
	s1 =	simm.s32 @p3 $0x1;
	p5 =	seq.s32 s14, $0x1;
	s25 =	spop @!p3 (v2sf)  }
0x8e: {  	(v2sf) =	vpush v2, $0x3;
	[smem:$0x7FA] =	sst s1;
	s1 =	simm.s32 @!p4 $0x0;
	s21 =	spop @!p5 (v2sf)  }
0x8f: {  	(v2sf) =	vpush v2, $0x4;
	s24 =	simm.s32 @!p0 $0x0;
	p0 =	seq.s32 s20, $0x1;
	s22 =	spop @!p4 (v2sf)  }
0x90: {  	(v2sf) =	vpush v2, $0x5;
	s1 =	simm.s32 @p4 $0x1;
	s20 =	spop @!p0 (v2sf);
	p0 =	seq.s32 s30, $0x1  }
0x91: {  	(v2sf) =	vpush v2, $0x6;
	[smem:$0x7FB] =	sst s1;
	s0 =	simm.s32 @!p0 $0x0  }
0x92: {  	p1 =	seq.s32 s19, $0x1;
	(v2sf) =	vpush v2, $0x7;
	s14 =	simm.s32 $0x80;
	s0 =	simm.s32 @p0 $0x1  }
0x93: {  	(v2sf) =	vpush v2, $0x8;
	p3 =	seq.s32 s23, $0x1;
	p0 =	seq.s32 s18, $0x1;
	[smem:$0x7FD] =	sst s0  }
.LBB2_4:
0x94: {  	s0 =	sld [smem:$0x7F8];
	_ =	sdelay $0x1  }
0x95: {  	s2 =	sld [smem:$0x7FA]  }
0x96: {  	s1 =	simm.s32 $0x1;
	s18 =	sld [smem:$0x7FB];
	p4 =	seq.s32 s0, $0x1  }
0x97: {  	s3 =	simm.s32 $0x1;
	s0 =	sadd.s32 s24, s17;
	[smem:s17] =	sst @!p4 s29  }
0x98: {  	v3 =	vld.idx.msk [tilespmem:v1+s15+$0x0 ss:$0x1], $0xffff;
	s15 =	simm.s32 $0x1;
	[smem:s0] =	sst @!p6 s28;
	s0 =	sadd.s32 s31, s0  }
0x99: {  	s1 =	simm.s32 @!p3 $0x0;
	s3 =	simm.s32 @!p0 $0x0;
	[smem:s0] =	sst @!p2 s26  }
0x9a: {  	s15 =	simm.s32 @!p1 $0x0;
	s0 =	sadd.s32 s16, s0;
	s16 =	sld [smem:$0x7FD]  }
0x9b: {  	p0 =	seq.s32 s2, $0x1;
	s17 =	smov.u32 s14;
	s14 =	sadd.s32 $0x40, s14  }
0x9c: {  	s29 =	simm.s32 $0x1;
	s28 =	simm.s32 $0x1;
	[smem:s0] =	sst @!p0 s25  }
0x9d: {  	s0 =	sadd.s32 s3, s0;
	s3 =	simm.s32 $0x1;
	p0 =	seq.s32 s16, $0x1  }
0x9e: {  	[smem:s0] =	sst @!p5 s21;
	s3 =	simm.s32 @!p0 $0x0;
	p0 =	sne.s32 s14, $0x200  }
0x9f: {  	s19 =	spop (v2sf);
	s21 =	sld [smem:$0x7FC];
	s2 =	simm.s32 @!p0 $0x0  }
0xa0: {  	p4 =	sne.s32 s19, $0x1;
	s0 =	sadd.s32 s15, s0;
	s2 =	simm.s32 @p0 $0x1  }
0xa1: {  	(v2sf) =	vpush v2, $0x9;
	s15 =	sshra.s32 s17, $0x2;
	p0 =	seq.s32 s18, $0x1;
	[smem:$0x7F0] =	sst s2  }
0xa2: {  	(v2sf) =	vpush v2, $0xA;
	[smem:s0] =	sst @!p0 s22;
	s0 =	sadd.s32 s1, s0;
	p0 =	seq.s32 s21, $0x1  }
0xa3: {  	(v2sf) =	vpush v2, $0xB;
	s22 =	spop (v2sf);
	s21 =	simm.s32 $0x1;
	[smem:s0] =	sst @!p0 s20  }
0xa4: {  	(v2sf) =	vpush v2, $0xC;
	s16 =	sadd.s32 s3, s0;
	p0 =	seq.s32 s19, $0x1;
	s20 =	simm.s32 $0x1  }
0xa5: {  	(v2sf) =	vpush v2, $0xD;
	p5 =	sne.s32 s22, $0x1;
	s23 =	spop (v2sf);
	p1 =	seq.s32 s22, $0x1  }
0xa6: {  	(v2sf) =	vpush v2, $0xE;
	s22 =	simm.s32 $0x1;
	s20 =	simm.s32 @!p0 $0x0;
	p2 =	sne.s32 s23, $0x1  }
0xa7: {  	(v2sf) =	vpush v2, $0xF;
	s24 =	spop (v2sf);
	p0 =	seq.s32 s23, $0x1;
	s28 =	simm.s32 @!p1 $0x0  }
0xa8: {  	(v2sf) =	vpush @!p4 v3, $0x0;
	s0 =	simm.s32 @!p2 $0x0;
	p3 =	sne.s32 s24, $0x1;
	s3 =	spop (v2sf)  }
0xa9: {  	(v2sf) =	vpush @!p5 v3, $0x1;
	s21 =	simm.s32 @!p0 $0x0;
	s20 =	sadd.s32 s20, s16;
	s0 =	simm.s32 @p2 $0x1  }
0xaa: {  	(v2sf) =	vpush @!p2 v3, $0x2;
	s1 =	simm.s32 @!p3 $0x0;
	p2 =	sne.s32 s3, $0x1;
	s9 =	spop (v2sf)  }
0xab: {  	p0 =	seq.s32 s3, $0x1;
	[smem:$0x7E5] =	sst s0;
	s1 =	simm.s32 @p3 $0x1  }
0xac: {  	(v2sf) =	vpush @!p3 v3, $0x3;
	s2 =	simm.s32 @!p2 $0x0;
	p3 =	sne.s32 s9, $0x1;
	s25 =	spop (v2sf)  }
0xad: {  	s22 =	simm.s32 @!p0 $0x0;
	[smem:$0x7E6] =	sst s1;
	s2 =	simm.s32 @p2 $0x1  }
0xae: {  	s1 =	simm.s32 @!p3 $0x0;
	p0 =	sne.s32 s25, $0x1;
	s26 =	spop (v2sf)  }
0xaf: {  	[smem:$0x7E8] =	sst s2;
	s1 =	simm.s32 @p3 $0x1;
	s2 =	simm.s32 @!p0 $0x0  }
0xb0: {  	(v2sf) =	vpush @!p2 v3, $0x4;
	p2 =	sne.s32 s26, $0x1;
	s30 =	spop (v2sf);
	s3 =	sld [smem:$0x7E6]  }
0xb1: {  	(v2sf) =	vpush @!p3 v3, $0x5;
	p3 =	seq.s32 s24, $0x1;
	[smem:$0x7E9] =	sst s1;
	s2 =	simm.s32 @p0 $0x1  }
0xb2: {  	(v2sf) =	vpush @!p0 v3, $0x6;
	p0 =	seq.s32 s25, $0x1;
	p1 =	sne.s32 s30, $0x1;
	s18 =	spop (v2sf)  }
0xb3: {  	s25 =	simm.s32 $0x1;
	s29 =	simm.s32 @!p3 $0x0;
	[smem:$0x7EA] =	sst s2  }
0xb4: {  	(v2sf) =	vpush @!p2 v3, $0x7;
	s2 =	simm.s32 @!p2 $0x0;
	s1 =	simm.s32 @!p1 $0x0;
	s19 =	spop (v2sf)  }
0xb5: {  	(v2sf) =	vpush @!p1 v3, $0x8;
	s2 =	simm.s32 @p2 $0x1;
	s1 =	simm.s32 @p1 $0x1;
	p1 =	sne.s32 s19, $0x1  }
0xb6: {  	[smem:$0x7EB] =	sst s2;
	s0 =	simm.s32 @!p1 $0x0;
	s2 =	spop (v2sf)  }
0xb7: {  	s25 =	simm.s32 @!p0 $0x0;
	s0 =	simm.s32 @p1 $0x1;
	p2 =	seq.s32 s2, $0x1  }
0xb8: {  	p6 =	sne.s32 s18, $0x1;
	[smem:$0x7F5] =	sst s0;
	s0 =	simm.s32 @!p2 $0x0  }
0xb9: {  	[smem:$0x7EC] =	sst s1;
	p0 =	sne.s32 s2, $0x1;
	s0 =	simm.s32 @p2 $0x1  }
0xba: {  	(v2sf) =	vpush @!p6 v3, $0x9;
	s1 =	simm.s32 @!p0 $0x0;
	[smem:$0x7E7] =	sst s0;
	s0 =	spop (v2sf)  }
0xbb: {  	(v2sf) =	vpush @!p1 v3, $0xA;
	p1 =	seq.s32 s30, $0x1;
	s1 =	simm.s32 @p0 $0x1;
	p2 =	sne.s32 s0, $0x1  }
0xbc: {  	[smem:$0x7ED] =	sst s1;
	s23 =	spop (v2sf);
	s1 =	simm.s32 @!p2 $0x0  }
0xbd: {  	s30 =	simm.s32 $0x1;
	(v2sf) =	vpush @!p0 v3, $0xB;
	s24 =	spop (v2sf);
	s1 =	simm.s32 @p2 $0x1  }
0xbe: {  	(v2sf) =	vpush @!p2 v3, $0xC;
	p2 =	seq.s32 s9, $0x1;
	p0 =	sne.s32 s24, $0x1;
	s9 =	spop (v2sf)  }
0xbf: {  	[smem:$0x7FA] =	sst s1;
	s1 =	simm.s32 $0x1;
	s30 =	simm.s32 @!p2 $0x0  }
0xc0: {  	s17 =	spop @!p4 (v2sf);
	s1 =	simm.s32 @!p1 $0x0;
	p1 =	sne.s32 s23, $0x1  }
0xc1: {  	s31 =	spop @!p5 (v2sf);
	[smem:s16] =	sst @!p4 s17;
	s17 =	sadd.s32 s28, s20  }
0xc2: {  	s16 =	sld [smem:$0x7E5];
	s2 =	simm.s32 @!p1 $0x0;
	s21 =	sadd.s32 s21, s17  }
0xc3: {  	(v2sf) =	vpush @!p1 v3, $0xD;
	[smem:s20] =	sst @!p5 s31;
	s2 =	simm.s32 @p1 $0x1;
	p1 =	sne.s32 s9, $0x1  }
0xc4: {  	s29 =	sadd.s32 s29, s21;
	[smem:$0x7F9] =	sst s2;
	s2 =	simm.s32 @!p0 $0x0  }
0xc5: {  	(v2sf) =	vpush @!p0 v3, $0xE;
	p2 =	seq.s32 s16, $0x1;
	s2 =	simm.s32 @p0 $0x1;
	p0 =	seq.s32 s26, $0x1  }
0xc6: {  	s26 =	simm.s32 $0x1;
	s28 =	spop @!p2 (v2sf);
	[smem:$0x7FB] =	sst s2  }
0xc7: {  	s26 =	simm.s32 @!p0 $0x0;
	p0 =	seq.s32 s9, $0x1;
	s9 =	sld [smem:$0x7E7]  }
0xc8: {  	s16 =	simm.s32 $0x1;
	s2 =	simm.s32 @!p1 $0x0;
	[smem:s17] =	sst @!p2 s28  }
0xc9: {  	s22 =	sadd.s32 s22, s29;
	s17 =	sld [smem:$0x7EB];
	s2 =	simm.s32 @p1 $0x1  }
0xca: {  	s20 =	sadd.s32 s30, s22;
	[smem:$0x7FC] =	sst s2;
	s2 =	simm.s32 @!p0 $0x0  }
0xcb: {  	p2 =	seq.s32 s18, $0x1;
	s18 =	sld [smem:$0x7F9];
	s2 =	simm.s32 @p0 $0x1  }
0xcc: {  	p0 =	seq.s32 s3, $0x1;
	p3 =	seq.s32 s9, $0x1;
	s9 =	sld [smem:$0x7E8]  }
0xcd: {  	s25 =	sadd.s32 s25, s20;
	[smem:$0x7FD] =	sst s2;
	s3 =	spop @!p0 (v2sf)  }
0xce: {  	s16 =	simm.s32 @!p3 $0x0;
	p3 =	seq.s32 s0, $0x1;
	[smem:s21] =	sst @!p0 s3  }
0xcf: {  	p5 =	seq.s32 s17, $0x1;
	s0 =	simm.s32 @!p3 $0x0;
	s21 =	sld [smem:$0x7EC]  }
0xd0: {  	s3 =	sadd.s32 s26, s25;
	s26 =	sld [smem:$0x7F5];
	p4 =	seq.s32 s9, $0x1  }
0xd1: {  	s0 =	simm.s32 @p3 $0x1;
	s9 =	sld [smem:$0x7E9];
	s17 =	sadd.s32 s1, s3  }
0xd2: {  	s1 =	simm.s32 @!p6 $0x0;
	s2 =	spop @!p4 (v2sf);
	[smem:$0x7EF] =	sst s0  }
0xd3: {  	s1 =	simm.s32 @p6 $0x1;
	[smem:s29] =	sst @!p4 s2  }
0xd4: {  	[smem:$0x7F8] =	sst s1  }
0xd5: {  	p3 =	seq.s32 s9, $0x1;
	s9 =	sld [smem:$0x7EA]  }
0xd6: {  	s1 =	sld [smem:$0x7ED]  }
0xd7: {  	(v2sf) =	vpush @!p1 v3, $0xF;
	s2 =	sld [smem:$0x7FB];
	s0 =	spop @!p3 (v2sf)  }
0xd8: {  	[smem:s22] =	sst @!p3 s0;
	s0 =	simm.s32 @!p2 $0x0;
	p1 =	seq.s32 s9, $0x1  }
0xd9: {  	v2 =	vld.idx.msk [tilespmem:v0+s15+$0x0 ss:$0x1], $0xffff;
	s22 =	sld [smem:$0x7FA];
	s0 =	simm.s32 @p2 $0x1;
	s30 =	spop @!p1 (v2sf)  }
0xda: {  	p0 =	seq.s32 s21, $0x1;
	[smem:$0x7EE] =	sst s0;
	s31 =	spop @!p5 (v2sf)  }
0xdb: {  	p4 =	seq.s32 s19, $0x1;
	[smem:s20] =	sst @!p1 s30;
	s9 =	spop @!p0 (v2sf)  }
0xdc: {  	p3 =	seq.s32 s26, $0x1;
	s19 =	sld [smem:$0x7EE];
	s29 =	spop @!p6 (v2sf)  }
0xdd: {  	p2 =	seq.s32 s1, $0x1;
	s30 =	sld [smem:$0x7F0];
	s28 =	spop @!p3 (v2sf)  }
0xde: {  	(v2sf) =	vpush v2, $0x0;
	[smem:s25] =	sst @!p5 s31;
	p6 =	seq.s32 s22, $0x1;
	s26 =	spop @!p2 (v2sf)  }
0xdf: {  	(v2sf) =	vpush v2, $0x1;
	s31 =	simm.s32 $0x1;
	p5 =	seq.s32 s18, $0x1;
	s25 =	spop @!p6 (v2sf)  }
0xe0: {  	(v2sf) =	vpush v2, $0x2;
	s31 =	simm.s32 @!p4 $0x0;
	p4 =	seq.s32 s2, $0x1;
	s21 =	spop @!p5 (v2sf)  }
0xe1: {  	s20 =	sld [smem:$0x7FC];
	(v2sf) =	vpush v2, $0x3;
	s22 =	spop @!p4 (v2sf);
	p4 =	seq.s32 s30, $0x1  }
.Ltmp3:
0xe2: {  	p1 =	seq.s32 s23, $0x1;
	s23 =	sld [smem:$0x7EF];
	(v2sf) =	vpush v2, $0x4;
	(pc) =	sbr.rel @p4 .LBB2_4-.Ltmp3, $4  }
0xe3: {  	[smem:s3] =	sst @!p0 s9;
	p0 =	seq.s32 s19, $0x1;
	(v2sf) =	vpush v2, $0x5  }
0xe4: {  	p6 =	por p3, p3;
	(v2sf) =	vpush v2, $0x6;
	p3 =	seq.s32 s24, $0x1;
	s24 =	simm.s32 $0x1  }
0xe5: {  	(v2sf) =	vpush v2, $0x7;
	s24 =	simm.s32 @!p0 $0x0;
	p0 =	seq.s32 s20, $0x1  }
0xe6: {  	(v2sf) =	vpush v2, $0x8;
	s20 =	spop @!p0 (v2sf);
	p0 =	seq.s32 s23, $0x1  }
0xe7: {  	s0 =	sld [smem:$0x7F8]  }
0xe8: {  	s9 =	sld [smem:$0x7FA]  }
0xe9: {  	s1 =	sadd.s32 s24, s17;
	s23 =	sld [smem:$0x7FD]  }
0xea: {  	s2 =	simm.s32 $0x1;
	s3 =	simm.s32 $0x1;
	s24 =	sld [smem:$0x7FB]  }
0xeb: {  	s19 =	simm.s32 $0x1;
	s18 =	simm.s32 $0x1;
	p4 =	seq.s32 s0, $0x1  }
0xec: {  	s2 =	simm.s32 @!p0 $0x0;
	s3 =	simm.s32 @!p1 $0x0;
	[smem:s17] =	sst @!p4 s29  }
0xed: {  	s0 =	simm.s32 $0x1;
	[smem:s1] =	sst @!p6 s28;
	s1 =	sadd.s32 s31, s1  }
0xee: {  	p0 =	seq.s32 s9, $0x1;
	s9 =	simm.s32 $0x1;
	[smem:s1] =	sst @!p2 s26  }
0xef: {  	s0 =	simm.s32 @!p3 $0x0;
	s1 =	sadd.s32 s16, s1;
	s26 =	sld [smem:$0x7FC]  }
0xf0: {  	(v2sf) =	vpush v2, $0x9;
	s17 =	simm.s32 $0x1;
	[smem:s1] =	sst @!p0 s25;
	s1 =	sadd.s32 s2, s1  }
0xf1: {  	(v2sf) =	vpush v2, $0xA;
	p0 =	seq.s32 s23, $0x1;
	s25 =	spop (v2sf);
	s23 =	simm.s32 $0x1  }
0xf2: {  	v3 =	vld.idx.msk [tilespmem:v1+s15+$0x0 ss:$0x1], $0xffff;
	(v2sf) =	vpush v2, $0xB;
	[smem:s1] =	sst @!p5 s21;
	s1 =	sadd.s32 s3, s1;
	s17 =	simm.s32 @!p0 $0x0  }
0xf3: {  	(v2sf) =	vpush v2, $0xC;
	p0 =	seq.s32 s24, $0x1;
	p3 =	sne.s32 s25, $0x1;
	s28 =	spop (v2sf)  }
0xf4: {  	(v2sf) =	vpush v2, $0xD;
	[smem:s1] =	sst @!p0 s22;
	s0 =	sadd.s32 s0, s1;
	p0 =	seq.s32 s26, $0x1  }
0xf5: {  	(v2sf) =	vpush v2, $0xE;
	s1 =	simm.s32 $0x1;
	s29 =	spop (v2sf);
	p1 =	seq.s32 s28, $0x1  }
0xf6: {  	(v2sf) =	vpush v2, $0xF;
	[smem:s0] =	sst @!p0 s20;
	p0 =	seq.s32 s25, $0x1;
	p4 =	sne.s32 s29, $0x1  }
0xf7: {  	(v2sf) =	vpush @!p3 v3, $0x0;
	s30 =	spop (v2sf);
	s1 =	simm.s32 @!p0 $0x0;
	p0 =	sne.s32 s28, $0x1  }
0xf8: {  	p2 =	seq.s32 s29, $0x1;
	s23 =	simm.s32 @!p1 $0x0;
	s25 =	simm.s32 $0x1;
	(v2sf) =	vpush @!p0 v3, $0x1  }
0xf9: {  	s2 =	simm.s32 @!p4 $0x0;
	p5 =	sne.s32 s30, $0x1;
	s21 =	spop (v2sf)  }
0xfa: {  	s9 =	simm.s32 @!p2 $0x0;
	s2 =	simm.s32 @p4 $0x1;
	s22 =	spop (v2sf);
	(v2sf) =	vpush @!p4 v3, $0x2  }
0xfb: {  	s3 =	simm.s32 @!p5 $0x0;
	p2 =	seq.s32 s21, $0x1;
	s24 =	spop (v2sf)  }
0xfc: {  	[smem:$0x7DF] =	sst s2;
	s3 =	simm.s32 @p5 $0x1;
	p1 =	seq.s32 s24, $0x1  }
0xfd: {  	s26 =	spop (v2sf);
	s25 =	simm.s32 @!p1 $0x0;
	p1 =	sne.s32 s24, $0x1  }
0xfe: {  	[smem:$0x7E0] =	sst s3;
	s31 =	spop (v2sf);
	s3 =	simm.s32 @!p1 $0x0  }
0xff: {  	p4 =	sne.s32 s21, $0x1;
	s15 =	spop (v2sf);
	s3 =	simm.s32 @p1 $0x1  }
0x100: {  	(v2sf) =	vpush @!p5 v3, $0x3;
	p5 =	sne.s32 s22, $0x1;
	[smem:$0x7E2] =	sst s3;
	s3 =	spop (v2sf)  }
0x101: {  	s19 =	simm.s32 @!p2 $0x0;
	s14 =	simm.s32 @!p5 $0x0;
	s20 =	spop (v2sf)  }
0x102: {  	p2 =	por p4, p4;
	(v2sf) =	vpush @!p4 v3, $0x4;
	s14 =	simm.s32 @p5 $0x1;
	s16 =	spop (v2sf)  }
0x103: {  	(v2sf) =	vpush @!p5 v3, $0x5;
	p4 =	sne.s32 s31, $0x1;
	[smem:$0x7E1] =	sst s14;
	s14 =	spop (v2sf)  }
0x104: {  	(v2sf) =	vpush @!p1 v3, $0x6;
	p1 =	seq.s32 s31, $0x1;
	s31 =	sld [smem:$0x7DF];
	s29 =	spop (v2sf)  }
0x105: {  	s18 =	simm.s32 @!p1 $0x0;
	p1 =	seq.s32 s30, $0x1;
	s30 =	spop (v2sf)  }
0x106: {  	s0 =	sadd.s32 s17, s0;
	s24 =	spop @!p3 (v2sf)  }
0x107: {  	[smem:s0] =	sst @!p3 s24;
	s0 =	sadd.s32 s1, s0;
	s1 =	spop @!p0 (v2sf)  }
0x108: {  	[smem:s0] =	sst @!p0 s1;
	p0 =	seq.s32 s31, $0x1  }
0x109: {  	s0 =	sadd.s32 s23, s0;
	s1 =	spop @!p0 (v2sf)  }
0x10a: {  	[smem:s0] =	sst @!p0 s1;
	p0 =	sne.s32 s20, $0x1  }
0x10b: {  	p6 =	sne.s32 s26, $0x1;
	s21 =	simm.s32 @!p0 $0x0  }
0x10c: {  	(v2sf) =	vpush @!p6 v3, $0x7;
	s21 =	simm.s32 @p0 $0x1  }
0x10d: {  	s28 =	simm.s32 $0x1;
	s2 =	simm.s32 $0x1;
	[smem:$0x7E3] =	sst s21  }
0x10e: {  	p5 =	sne.s32 s15, $0x1;
	s28 =	simm.s32 @!p1 $0x0;
	(v2sf) =	vpush @!p4 v3, $0x8;
	s21 =	sld [smem:$0x7E0]  }
0x10f: {  	p1 =	seq.s32 s22, $0x1;
	s22 =	sld [smem:$0x7E1];
	(v2sf) =	vpush @!p5 v3, $0x9;
	p3 =	sne.s32 s3, $0x1  }
0x110: {  	s2 =	simm.s32 @!p1 $0x0;
	(v2sf) =	vpush @!p3 v3, $0xA;
	s23 =	sld [smem:$0x7E2];
	s1 =	simm.s32 $0x1  }
0x111: {  	s0 =	sadd.s32 s9, s0;
	(v2sf) =	vpush @!p0 v3, $0xB;
	p0 =	seq.s32 s26, $0x1;
	p1 =	seq.s32 s21, $0x1  }
0x112: {  	s1 =	simm.s32 @!p0 $0x0;
	s24 =	sld [smem:$0x7E3];
	s9 =	spop @!p1 (v2sf)  }
0x113: {  	p0 =	seq.s32 s20, $0x1;
	[smem:s0] =	sst @!p1 s9;
	s0 =	sadd.s32 s28, s0  }
0x114: {  	s9 =	simm.s32 $0x1;
	s21 =	spop @!p2 (v2sf);
	p1 =	sne.s32 s14, $0x1  }
0x115: {  	s9 =	simm.s32 @!p0 $0x0;
	[smem:s0] =	sst @!p2 s21;
	s21 =	simm.s32 @!p1 $0x0  }
0x116: {  	p2 =	sne.s32 s16, $0x1;
	p0 =	seq.s32 s22, $0x1;
	s21 =	simm.s32 @p1 $0x1  }
0x117: {  	s0 =	sadd.s32 s19, s0;
	s19 =	spop @!p0 (v2sf);
	[smem:$0x7E4] =	sst s21  }
0x118: {  	(v2sf) =	vpush @!p2 v3, $0xC;
	[smem:s0] =	sst @!p0 s19;
	p0 =	seq.s32 s23, $0x1  }
0x119: {  	(v2sf) =	vpush @!p1 v3, $0xD;
	s0 =	sadd.s32 s2, s0;
	p1 =	sne.s32 s29, $0x1;
	s2 =	spop @!p0 (v2sf)  }
0x11a: {  	s19 =	simm.s32 $0x1;
	[smem:s0] =	sst @!p0 s2;
	s0 =	sadd.s32 s25, s0  }
0x11b: {  	(v2sf) =	vpush @!p1 v3, $0xE;
	s2 =	spop @!p6 (v2sf);
	p0 =	seq.s32 s3, $0x1;
	s25 =	sld [smem:$0x7E4]  }
0x11c: {  	[smem:s0] =	sst @!p6 s2;
	s19 =	simm.s32 @!p0 $0x0  }
0x11d: {  	s0 =	sadd.s32 s1, s0;
	s1 =	spop @!p4 (v2sf);
	p6 =	sne.s32 s30, $0x1  }
0x11e: {  	p0 =	seq.s32 s15, $0x1;
	[smem:s0] =	sst @!p4 s1;
	s1 =	simm.s32 $0x1  }
0x11f: {  	s0 =	sadd.s32 s18, s0;
	s2 =	spop @!p5 (v2sf);
	s1 =	simm.s32 @!p0 $0x0  }
0x120: {  	(v2sf) =	vpush @!p6 v3, $0xF;
	[smem:s0] =	sst @!p5 s2;
	p0 =	seq.s32 s29, $0x1;
	s2 =	simm.s32 $0x1  }
0x121: {  	s3 =	spop @!p3 (v2sf);
	s2 =	simm.s32 @!p0 $0x0;
	s0 =	sadd.s32 s1, s0  }
0x122: {  	p0 =	seq.s32 s16, $0x1;
	s1 =	simm.s32 $0x1;
	[smem:s0] =	sst @!p3 s3  }
0x123: {  	p3 =	seq.s32 s24, $0x1;
	s0 =	sadd.s32 s19, s0;
	s1 =	simm.s32 @!p0 $0x0  }
0x124: {  	p0 =	seq.s32 s14, $0x1;
	s14 =	simm.s32 $0x1;
	s3 =	spop @!p3 (v2sf)  }
0x125: {  	s9 =	sadd.s32 s9, s0;
	s14 =	simm.s32 @!p0 $0x0;
	p0 =	seq.s32 s30, $0x1  }
0x126: {  	[smem:s0] =	sst @!p3 s3;
	s0 =	sadd.s32 s1, s9;
	s1 =	simm.s32 $0x1  }
0x127: {  	p3 =	seq.s32 s25, $0x1;
	s3 =	sadd.s32 s14, s0;
	s14 =	spop @!p2 (v2sf)  }
0x128: {  	s1 =	simm.s32 @!p0 $0x0;
	s2 =	sadd.s32 s2, s3;
	s15 =	spop @!p3 (v2sf)  }
0x129: {  	[smem:s9] =	sst @!p2 s14;
	s14 =	sadd.s32 s1, s2;
	s9 =	simm.s32 $0x1  }
0x12a: {  	s1 =	sadd.s32 $0x1, s14;
	p0 =	slt.u32 s14, $0x7FFFFFFF;
	s16 =	spop @!p1 (v2sf)  }
0x12b: {  	[smem:s0] =	sst @!p3 s15;
	s9 =	simm.s32 @!p0 $0x0;
	s26 =	sshra.s32 s1, $0x1F  }
0x12c: {  	s29 =	sand.u32 $0x1, s1;
	[smem:s3] =	sst @!p1 s16;
	s28 =	sadd.s32 s9, s26  }
0x12d: {  	s30 =	sshrl.u32 s1, $0x1F;
	p5 =	seq.s32 s29, $0x1;
	p4 =	sne.s32 s28, $0x1  }
.Ltmp4:
0x12e: {  	s3 =	simm.s32 $0x1;
	p0 =	por !p4, !p5;
	(pc) =	sbr.rel .LBB2_6-.Ltmp4, $4  }
0x12f: {  	s1 =	sadd.s32 s30, s1;
	s0 =	spop @!p6 (v2sf);
	p0 =	por !p0, !p0  }
0x130: {  	s31 =	sshra.s32 s1, $0x1;
	[smem:s2] =	sst @!p6 s0;
	s3 =	simm.s32 @!p0 $0x0  }
0x131: {  	v8 =	vimm.f32 $0.0e+00;
	[smem:s14] =	sst s10;
	s15 =	ssub.s32 s31, s3  }
0x132: {  	v10 =	vimm.f32 $0.0e+00;
	v2 =	vimm.f32 $0.0e+00;
	v3 =	vimm.f32 $0.0e+00;
	s16 =	simm.s32 $0x0;
	[smem:s14+$0x1] =	sst s10;
	p0 =	slt.s32 s15, $0x1  }
.LBB2_9:
0x133: {  	v4 =	vsub.f32 v4, v9;
	v6 =	vmax.f32 v12, $0.0e+00;
	v5 =	vsub.f32 v5, v9  }
0x134: {  	v3 =	vadd.f32 v15, v3;
	v7 =	vadd.f32 v14, v8;
	v8 =	vmax.f32 v11, $0.0e+00  }
0x135: {  	v9 =	vmax.f32 v13, $0.0e+00;
	v4 =	vmax.f32 v4, $0.0e+00;
	v2 =	vadd.f32 v8, v2  }
0x136: {  	v3 =	vadd.f32 v9, v3;
	v10 =	vadd.f32 v4, v10;
	v4 =	vmax.f32 v5, $0.0e+00  }
0x137: {  	v8 =	vadd.f32 v6, v7;
	v2 =	vadd.f32 v4, v2  }
.LBB2_10:
0x138: {  	s16 =	sadd.s32 $0x1, s16  }
0x139: {  	p1 =	sne.s32 s16, $0x40  }
.Ltmp5:
0x13a: {  	_ = 	snop;
	(pc) =	sbr.rel @!p1 .LBB2_11-.Ltmp5, $1  }
0x13b: {  	_ =	sdelay $0x3  }
.LBB2_6:
.Ltmp6:
0x13c: {  	(pc) =	sbr.rel @p0 .LBB2_10-.Ltmp6, $1  }
0x13d: {  	_ =	sdelay $0x3  }
0x13e: {  	s0 =	sshll.u32 s16, $0x6  }
0x13f: {  	s0 =	sand.u32 $0x3FFFFFC0, s0  }
0x140: {  	v4 =	vld [tilespmem:s0+$0x2100]  }
0x141: {  	v6 =	vld [tilespmem:s0+$0x2110]  }
0x142: {  	v7 =	vld [tilespmem:s0+$0x2120]  }
0x143: {  	v5 =	vld [tilespmem:s0+$0x2130];
	s0 =	sld [smem:$0x0];
	_ =	sdelay $0x1  }
0x144: {  	p1 =	sne.s32 s15, $0x1;
	s1 =	sld [smem:$0x1]  }
.Ltmp7:
0x145: {  	v11 =	vmov s0;
	(pc) =	sbr.rel @!p1 .LBB2_9-.Ltmp7, $4  }
0x146: {  	v12 =	vsub.f32 v4, v11;
	v14 =	vsub.f32 v6, v11  }
0x147: {  	v9 =	vmov s1;
	v13 =	vsub.f32 v7, v11;
	v11 =	vsub.f32 v5, v11  }
0x148: {  	v15 =	vmax.f32 v12, $0.0e+00;
	v12 =	vsub.f32 v6, v9;
	v14 =	vmax.f32 v14, $0.0e+00  }
0x149: {  	s17 =	sadd.s32 $0xFFFFFFFF, s15;
	s18 =	simm.s32 $0x3;
	v10 =	vadd.f32 v15, v10;
	v15 =	vmax.f32 v13, $0.0e+00;
	v13 =	vsub.f32 v7, v9  }
.LBB2_8:
0x14a: {  	s0 =	sld [smem:s18+$0xFFFFFFFF];
	p1 =	sne.s32 s17, $0x1;
	s17 =	sadd.s32 $0xFFFFFFFF, s17;
	v3 =	vadd.f32 v15, v3;
	v15 =	vsub.f32 v4, v9;
	v16 =	vmax.f32 v12, $0.0e+00  }
0x14b: {  	v8 =	vadd.f32 v14, v8;
	v12 =	vmax.f32 v13, $0.0e+00;
	v13 =	vsub.f32 v5, v9;
	s1 =	sld [smem:s18+$0x0]  }
0x14c: {  	v9 =	vmax.f32 v11, $0.0e+00;
	v11 =	vmax.f32 v15, $0.0e+00;
	v3 =	vadd.f32 v12, v3  }
0x14d: {  	v2 =	vadd.f32 v9, v2;
	v14 =	vmov s0;
	v10 =	vadd.f32 v11, v10  }
.Ltmp8:
0x14e: {  	v13 =	vmax.f32 v13, $0.0e+00;
	v11 =	vsub.f32 v4, v14;
	v9 =	vmov s1;
	(pc) =	sbr.rel @p1 .LBB2_8-.Ltmp8, $4  }
0x14f: {  	v17 =	vsub.f32 v6, v14;
	v15 =	vsub.f32 v7, v14  }
0x150: {  	v2 =	vadd.f32 v13, v2;
	v12 =	vsub.f32 v6, v9;
	v11 =	vmax.f32 v11, $0.0e+00  }
0x151: {  	v15 =	vmax.f32 v15, $0.0e+00;
	v10 =	vadd.f32 v11, v10;
	v11 =	vsub.f32 v5, v14  }
0x152: {  	s18 =	sadd.s32 $0x2, s18;
	v8 =	vadd.f32 v16, v8;
	v13 =	vsub.f32 v7, v9;
	v14 =	vmax.f32 v17, $0.0e+00  }
.Ltmp9:
0x153: {  	_ = 	snop;
	(pc) =	sbr.rel .LBB2_9-.Ltmp9, $1  }
0x154: {  	_ =	sdelay $0x3  }
.LBB2_12:
0x155: {  	_ =	sfence.sel $0x180000  }
0x156: {  	[bflag:$0x0] =	sbarrier.arrive $0xFFFF  }
0x157: {  	_ =	strace $0x90000047  }
0x158: {  	s0 =	stileid.u32;
	[bflag:$0x2] =	sbarrier.arrive $0xFFFF  }
0x159: {  	p0 =	sne.s32 s0, $0x0;
	s0 =	rddreg [dreg:$0x3]  }
0x15a: {  	s0 =	sadd.s32 @!p0 $0x100000, s0  }
0x15b: {  	[sflag:s0] =	ssyncadd.tile.s32 @!p0 $0x1;
	_ =	shalt  }
.Lfunc_end2:
_tile_overlayer_lowered:
.L_overlay_start_2:
0x15c: {  	(tag) =	ssettag $0x2  }
0x15d: {  	s0 =	rddreg [dreg:$0x0];
	s2 =	stileid.u32  }
0x15e: {  	s1 =	rddreg [dreg:$0x1];
	p0 =	sne.s32 s2, $0x0  }
0x15f: {  	s3 =	rddreg [dreg:$0x2];
	[bflag:$0x3] =	sbarrier.arrive $0xFFFF;
	s2 =	simm.s32 @!p0 $0x1C01  }
0x160: {  	[timem:s3], [sflag:s2] =	dma.local @!p0 [hbm:s0], s1  }
0x161: {  	s0 =	simm.s32 @!p0 $0x1  }
0x162: {  	_ =	swait.ge @!p0 [sflag:s0], s1  }
0x163: {  	s1 =	ssub.s32 @!p0 $0x0, s1;
	[sflag:s0] =	ssyncset.done @!p0 $0x0  }
0x164: {  	[sflag:s0] =	ssyncadd.s32 @!p0 s1  }
0x165: {  	[bflag:$0x3] =	sbarrier.arrive $0xFFFF  }
0x166: {  	_ =	shalt  }

</sc_bundles>
